<compile_context>
chip_gen: v7x
topology: tpu7x:2x2x1
jax: 0.10.2.dev20260603
libtpu: 0.0.44.dev20260713+nightly
codegen_flags: <defaults>
</compile_context>

<pallas_src>
import functools

import jax
import jax.numpy as jnp
from jax import lax
from jax.experimental import pallas as pl
from jax.experimental.pallas import tpu as pltpu
from jax.experimental.pallas import tpu_sc as plsc

_EPS = 1e-5
_C = 64
_BS = 512


@functools.lru_cache(maxsize=None)
def _make_sc_gather(V, D, N):
    info = plsc.get_sparse_core_info()
    NC, NS = info.num_cores, info.num_subcores
    NW = NC * NS
    tpw = N // NW
    nchunks = tpw // _C

    mesh = plsc.VectorSubcoreMesh(core_axis_name="c", subcore_axis_name="s")

    @functools.partial(
        pl.kernel,
        mesh=mesh,
        out_type=jax.ShapeDtypeStruct((N, D), jnp.float32),
        scratch_types=[
            pltpu.VMEM((nchunks, _C), jnp.int32),
            pltpu.VMEM((_C, D), jnp.float32),
            pltpu.VMEM((_C, D), jnp.float32),
            pltpu.SemaphoreType.DMA,
            pltpu.SemaphoreType.DMA,
            pltpu.SemaphoreType.DMA,
            pltpu.SemaphoreType.DMA,
        ],
    )
    def gather_k(table_hbm, idx_hbm, out_hbm, idx_v, buf0, buf1, g0, g1, o0, o1):
        wid = lax.axis_index("s") * NC + lax.axis_index("c")
        base = wid * tpw
        bufs = (buf0, buf1)
        gsems = (g0, g1)
        osems = (o0, o1)

        pltpu.sync_copy(idx_hbm.at[pl.ds(wid * nchunks, nchunks)], idx_v)

        def gather(c, slot):
            return pltpu.make_async_copy(
                table_hbm.at[idx_v.at[c]], bufs[slot], gsems[slot])

        def out_copy(c, slot):
            return pltpu.make_async_copy(
                bufs[slot], out_hbm.at[pl.ds(base + c * _C, _C)], osems[slot])

        gather(0, 0).start()
        for c in range(nchunks):
            cur = c % 2
            gather(c, cur).wait()
            out_copy(c, cur).start()
            if c + 1 < nchunks:
                if c >= 1:
                    out_copy(c - 1, (c - 1) % 2).wait()
                gather(c + 1, (c + 1) % 2).start()
        out_copy(nchunks - 2, (nchunks - 2) % 2).wait()
        out_copy(nchunks - 1, (nchunks - 1) % 2).wait()

    return gather_k


@functools.lru_cache(maxsize=None)
def _make_tc_ln(B, S, D):
    grid = (S // _BS, B)

    def body(g_ref, p_ref, tt_ref, ttab_ref, gam_ref, bet_ref, o_ref):
        e = g_ref[0] + p_ref[...]
        t0 = ttab_ref[0]
        t1 = ttab_ref[1]
        ttf = tt_ref[0, 0, 0, :].astype(jnp.float32)[:, None]
        e = e + (t0[None, :] + ttf * (t1 - t0)[None, :])
        mu = jnp.mean(e, axis=1, keepdims=True)
        d = e - mu
        var = jnp.mean(d * d, axis=1, keepdims=True)
        r = lax.rsqrt(var + _EPS)
        o_ref[0] = (d * r) * gam_ref[0][None, :] + bet_ref[0][None, :]

    return pl.pallas_call(
        body,
        grid=grid,
        in_specs=[
            pl.BlockSpec((1, _BS, D), lambda s, b: (b, s, 0)),
            pl.BlockSpec((_BS, D), lambda s, b: (s, 0)),
            pl.BlockSpec((1, 1, 1, _BS), lambda s, b: (b, s, 0, 0)),
            pl.BlockSpec((2, D), lambda s, b: (0, 0)),
            pl.BlockSpec((1, D), lambda s, b: (0, 0)),
            pl.BlockSpec((1, D), lambda s, b: (0, 0)),
        ],
        out_specs=pl.BlockSpec((1, _BS, D), lambda s, b: (b, s, 0)),
        out_shape=jax.ShapeDtypeStruct((B, S, D), jnp.float32),
    )


def kernel(input_ids, token_type_ids, word_table, pos_table, type_table,
           ln_gamma, ln_beta):
    B, S = input_ids.shape
    V, D = word_table.shape
    N = B * S

    ids2 = input_ids.reshape(N // _C, _C).astype(jnp.int32)
    gathered = _make_sc_gather(V, D, N)(word_table, ids2)
    g3 = gathered.reshape(B, S, D)
    tt4 = token_type_ids.reshape(B, S // _BS, 1, _BS).astype(jnp.int32)
    return _make_tc_ln(B, S, D)(
        g3, pos_table, tt4, type_table,
        ln_gamma.reshape(1, D), ln_beta.reshape(1, D))

# --- scband reference (transcript-rebuilt; emitter-appended) ---
"""Pipeline reference for scband-bert-embeddings-47571057770843 (READ-ONLY COPY).

The authoritative reference and input builder live on the scoring server;
editing this copy changes nothing except your own understanding.
"""

import jax, jax.numpy as jnp
import numpy as np

VOCAB = 100000
HIDDEN = 768
TYPE_VOCAB = 2
MAX_POS = 4096
B, S = 4, 4096
EPS = 1e-5


def setup_inputs(seed: int = 0) -> dict:
    key = jax.random.key(seed)
    k1, k2, k3, k4, k5, k6, k7 = jax.random.split(key, 7)
    input_ids = jax.random.randint(k1, (B, S), 0, VOCAB, dtype=jnp.int64 if jax.config.jax_enable_x64 else jnp.int32)
    token_type_ids = jax.random.randint(k2, (B, S), 0, TYPE_VOCAB, dtype=input_ids.dtype)
    word_table = jax.random.normal(k3, (VOCAB, HIDDEN), dtype=jnp.float32) * 0.02
    pos_table = jax.random.normal(k4, (MAX_POS, HIDDEN), dtype=jnp.float32) * 0.02
    type_table = jax.random.normal(k5, (TYPE_VOCAB, HIDDEN), dtype=jnp.float32) * 0.02
    ln_gamma = jnp.ones((HIDDEN,), dtype=jnp.float32)
    ln_beta = jnp.zeros((HIDDEN,), dtype=jnp.float32)
    return {
        "input_ids": input_ids,
        "token_type_ids": token_type_ids,
        "word_table": word_table,
        "pos_table": pos_table,
        "type_table": type_table,
        "ln_gamma": ln_gamma,
        "ln_beta": ln_beta,
    }


def reference(input_ids, token_type_ids, word_table, pos_table, type_table, ln_gamma, ln_beta):
    seq_length = input_ids.shape[1]
    position_ids = jnp.arange(seq_length, dtype=input_ids.dtype)[None, :]
    position_ids = jnp.broadcast_to(position_ids, input_ids.shape)
    words_embeddings = jnp.take(word_table, input_ids, axis=0)
    position_embeddings = jnp.take(pos_table, position_ids, axis=0)
    embeddings = words_embeddings + position_embeddings
    embeddings = embeddings + jnp.take(type_table, token_type_ids, axis=0)
    # BertLayerNorm, eps=1e-5 (dropout is identity at inference)
    mu = jnp.mean(embeddings, axis=-1, keepdims=True)
    var = jnp.mean((embeddings - mu) ** 2, axis=-1, keepdims=True)
    normed = (embeddings - mu) / jnp.sqrt(var + EPS)
    return normed * ln_gamma + ln_beta

if __name__ == "__main__":
    import jax
    _d = setup_inputs()
    print(jax.jit(kernel)(*tuple(_d.values())))

</pallas_src>

<mosaic_0001>
#map = affine_map<(d0, d1) -> (0, 0)>
module attributes {stable_mosaic.version = 14 : i64} {
  func.func @gather_k(%arg0: i32, %arg1: i32, %arg2: memref<100000x768xf32, #tpu.memory_space<hbm>>, %arg3: memref<256x64xi32, #tpu.memory_space<hbm>>, %arg4: memref<16384x768xf32, #tpu.memory_space<hbm>>, %arg5: memref<8x64xi32, #tpu.memory_space<vmem>>, %arg6: memref<64x768xf32, #tpu.memory_space<vmem>>, %arg7: memref<64x768xf32, #tpu.memory_space<vmem>>, %arg8: memref<!tpu.dma_semaphore, #tpu.memory_space<semaphore_mem>>, %arg9: memref<!tpu.dma_semaphore, #tpu.memory_space<semaphore_mem>>, %arg10: memref<!tpu.dma_semaphore, #tpu.memory_space<semaphore_mem>>, %arg11: memref<!tpu.dma_semaphore, #tpu.memory_space<semaphore_mem>>) attributes {dimension_semantics = [#tpu.dimension_semantics<core_parallel>, #tpu.dimension_semantics<subcore_parallel>], iteration_bounds = array<i64: 2, 16>, scalar_prefetch = 0 : i64, scratch_operands = 7 : i64, tpu.core_type = #tpu.core_type<sc_vector_subcore>, window_params = [{transform_indices = #map}, {transform_indices = #map}, {transform_indices = #map}]} {
    %mul3A = arith.constant 2 : i32
    %mul3A_0 = arith.muli %arg1, %mul3A : i32
    %add3A = arith.addi %mul3A_0, %arg0 : i32
    %mul3A_1 = arith.constant 512 : i32
    %mul3A_2 = arith.muli %add3A, %mul3A_1 : i32
    %mul3A_3 = arith.constant 8 : i32
    %mul3A_4 = arith.muli %add3A, %mul3A_3 : i32
    "tpu.region"() ({
      %run_scoped3A = tpu.sem_alloc : memref<!tpu.dma_semaphore, #tpu.memory_space<semaphore_mem>>
      %dma_start3A_211 = arith.constant 0 : i32
      %dma_start3A_212 = tpu.memref_slice %arg3[%mul3A_4, %dma_start3A_211] : memref<256x64xi32, #tpu.memory_space<hbm>> -> memref<8x64xi32, #tpu.memory_space<hbm>>
      %dma_start3A_213 = arith.constant 0 : i32
      %dma_start3A_214 = tpu.memref_slice %arg3[%mul3A_4, %dma_start3A_213] : memref<256x64xi32, #tpu.memory_space<hbm>> -> memref<8x64xi32, #tpu.memory_space<hbm>>
      tpu.enqueue_dma source(%dma_start3A_214 : memref<8x64xi32, #tpu.memory_space<hbm>>) target(%arg5 : memref<8x64xi32, #tpu.memory_space<vmem>>) target_semaphore(%run_scoped3A : memref<!tpu.dma_semaphore, #tpu.memory_space<semaphore_mem>>)
      %dma_wait3A_215 = arith.constant 0 : i32
      %dma_wait3A_216 = tpu.memref_slice %arg3[%mul3A_4, %dma_wait3A_215] : memref<256x64xi32, #tpu.memory_space<hbm>> -> memref<8x64xi32, #tpu.memory_space<hbm>>
      %dma_wait3A_217 = arith.constant 0 : i32
      %dma_wait3A_218 = tpu.memref_slice %arg3[%mul3A_4, %dma_wait3A_217] : memref<256x64xi32, #tpu.memory_space<hbm>> -> memref<8x64xi32, #tpu.memory_space<hbm>>
      tpu.wait_dma2 semaphore(%run_scoped3A : memref<!tpu.dma_semaphore, #tpu.memory_space<semaphore_mem>>) src(%dma_wait3A_218 : memref<8x64xi32, #tpu.memory_space<hbm>>) dst(%arg5 : memref<8x64xi32, #tpu.memory_space<vmem>>)
      tpu.yield
    }) : () -> ()
    %dma_start3A = arith.constant 0 : i32
    %dma_start3A_5 = arith.constant 0 : i32
    %dma_start3A_6 = tpu.memref_slice %arg5[%dma_start3A, %dma_start3A_5] : memref<8x64xi32, #tpu.memory_space<vmem>> -> memref<1x64xi32, #tpu.memory_space<vmem>>
    %dma_start3A_7 = tpu.memref_squeeze %dma_start3A_6 : memref<1x64xi32, #tpu.memory_space<vmem>> -> memref<64xi32, #tpu.memory_space<vmem>>
    %dma_start3A_8 = arith.constant 0 : i32
    %dma_start3A_9 = arith.constant 0 : i32
    %dma_start3A_10 = tpu.memref_slice %arg2[%dma_start3A_8, %dma_start3A_9] : memref<100000x768xf32, #tpu.memory_space<hbm>> -> memref<100000x768xf32, #tpu.memory_space<hbm>>
    tpu.enqueue_indirect_dma source(%dma_start3A_10 : memref<100000x768xf32, #tpu.memory_space<hbm>>) target(%arg6 : memref<64x768xf32, #tpu.memory_space<vmem>>) offsets(%dma_start3A_7 : memref<64xi32, #tpu.memory_space<vmem>>) semaphore(%arg8 : memref<!tpu.dma_semaphore, #tpu.memory_space<semaphore_mem>>)
    %dma_wait3A = arith.constant 0 : i32
    %dma_wait3A_11 = arith.constant 0 : i32
    %dma_wait3A_12 = tpu.memref_slice %arg5[%dma_wait3A, %dma_wait3A_11] : memref<8x64xi32, #tpu.memory_space<vmem>> -> memref<1x64xi32, #tpu.memory_space<vmem>>
    %dma_wait3A_13 = tpu.memref_squeeze %dma_wait3A_12 : memref<1x64xi32, #tpu.memory_space<vmem>> -> memref<64xi32, #tpu.memory_space<vmem>>
    %dma_wait3A_14 = arith.constant 0 : i32
    %dma_wait3A_15 = arith.constant 0 : i32
    %dma_wait3A_16 = tpu.memref_slice %arg2[%dma_wait3A_14, %dma_wait3A_15] : memref<100000x768xf32, #tpu.memory_space<hbm>> -> memref<100000x768xf32, #tpu.memory_space<hbm>>
    tpu.wait_indirect_dma semaphore(%arg8 : memref<!tpu.dma_semaphore, #tpu.memory_space<semaphore_mem>>) src(%dma_wait3A_16 : memref<100000x768xf32, #tpu.memory_space<hbm>>) dst(%arg6 : memref<64x768xf32, #tpu.memory_space<vmem>>)
    %add3A_17 = arith.constant 0 : i32
    %add3A_18 = arith.addi %mul3A_2, %add3A_17 : i32
    %dma_start3A_19 = arith.constant 0 : i32
    %dma_start3A_20 = tpu.memref_slice %arg4[%add3A_18, %dma_start3A_19] : memref<16384x768xf32, #tpu.memory_space<hbm>> -> memref<64x768xf32, #tpu.memory_space<hbm>>
    %dma_start3A_21 = arith.constant 0 : i32
    %dma_start3A_22 = tpu.memref_slice %arg4[%add3A_18, %dma_start3A_21] : memref<16384x768xf32, #tpu.memory_space<hbm>> -> memref<64x768xf32, #tpu.memory_space<hbm>>
    tpu.enqueue_dma source(%arg6 : memref<64x768xf32, #tpu.memory_space<vmem>>) target(%dma_start3A_22 : memref<64x768xf32, #tpu.memory_space<hbm>>) target_semaphore(%arg10 : memref<!tpu.dma_semaphore, #tpu.memory_space<semaphore_mem>>)
    %dma_start3A_23 = arith.constant 1 : i32
    %dma_start3A_24 = arith.constant 0 : i32
    %dma_start3A_25 = tpu.memref_slice %arg5[%dma_start3A_23, %dma_start3A_24] : memref<8x64xi32, #tpu.memory_space<vmem>> -> memref<1x64xi32, #tpu.memory_space<vmem>>
    %dma_start3A_26 = tpu.memref_squeeze %dma_start3A_25 : memref<1x64xi32, #tpu.memory_space<vmem>> -> memref<64xi32, #tpu.memory_space<vmem>>
    %dma_start3A_27 = arith.constant 0 : i32
    %dma_start3A_28 = arith.constant 0 : i32
    %dma_start3A_29 = tpu.memref_slice %arg2[%dma_start3A_27, %dma_start3A_28] : memref<100000x768xf32, #tpu.memory_space<hbm>> -> memref<100000x768xf32, #tpu.memory_space<hbm>>
    tpu.enqueue_indirect_dma source(%dma_start3A_29 : memref<100000x768xf32, #tpu.memory_space<hbm>>) target(%arg7 : memref<64x768xf32, #tpu.memory_space<vmem>>) offsets(%dma_start3A_26 : memref<64xi32, #tpu.memory_space<vmem>>) semaphore(%arg9 : memref<!tpu.dma_semaphore, #tpu.memory_space<semaphore_mem>>)
    %dma_wait3A_30 = arith.constant 1 : i32
    %dma_wait3A_31 = arith.constant 0 : i32
    %dma_wait3A_32 = tpu.memref_slice %arg5[%dma_wait3A_30, %dma_wait3A_31] : memref<8x64xi32, #tpu.memory_space<vmem>> -> memref<1x64xi32, #tpu.memory_space<vmem>>
    %dma_wait3A_33 = tpu.memref_squeeze %dma_wait3A_32 : memref<1x64xi32, #tpu.memory_space<vmem>> -> memref<64xi32, #tpu.memory_space<vmem>>
    %dma_wait3A_34 = arith.constant 0 : i32
    %dma_wait3A_35 = arith.constant 0 : i32
    %dma_wait3A_36 = tpu.memref_slice %arg2[%dma_wait3A_34, %dma_wait3A_35] : memref<100000x768xf32, #tpu.memory_space<hbm>> -> memref<100000x768xf32, #tpu.memory_space<hbm>>
    tpu.wait_indirect_dma semaphore(%arg9 : memref<!tpu.dma_semaphore, #tpu.memory_space<semaphore_mem>>) src(%dma_wait3A_36 : memref<100000x768xf32, #tpu.memory_space<hbm>>) dst(%arg7 : memref<64x768xf32, #tpu.memory_space<vmem>>)
    %add3A_37 = arith.constant 64 : i32
    %add3A_38 = arith.addi %mul3A_2, %add3A_37 : i32
    %dma_start3A_39 = arith.constant 0 : i32
    %dma_start3A_40 = tpu.memref_slice %arg4[%add3A_38, %dma_start3A_39] : memref<16384x768xf32, #tpu.memory_space<hbm>> -> memref<64x768xf32, #tpu.memory_space<hbm>>
    %dma_start3A_41 = arith.constant 0 : i32
    %dma_start3A_42 = tpu.memref_slice %arg4[%add3A_38, %dma_start3A_41] : memref<16384x768xf32, #tpu.memory_space<hbm>> -> memref<64x768xf32, #tpu.memory_space<hbm>>
    tpu.enqueue_dma source(%arg7 : memref<64x768xf32, #tpu.memory_space<vmem>>) target(%dma_start3A_42 : memref<64x768xf32, #tpu.memory_space<hbm>>) target_semaphore(%arg11 : memref<!tpu.dma_semaphore, #tpu.memory_space<semaphore_mem>>)
    %add3A_43 = arith.constant 0 : i32
    %add3A_44 = arith.addi %mul3A_2, %add3A_43 : i32
    %dma_wait3A_45 = arith.constant 0 : i32
    %dma_wait3A_46 = tpu.memref_slice %arg4[%add3A_44, %dma_wait3A_45] : memref<16384x768xf32, #tpu.memory_space<hbm>> -> memref<64x768xf32, #tpu.memory_space<hbm>>
    %dma_wait3A_47 = arith.constant 0 : i32
    %dma_wait3A_48 = tpu.memref_slice %arg4[%add3A_44, %dma_wait3A_47] : memref<16384x768xf32, #tpu.memory_space<hbm>> -> memref<64x768xf32, #tpu.memory_space<hbm>>
    tpu.wait_dma2 semaphore(%arg10 : memref<!tpu.dma_semaphore, #tpu.memory_space<semaphore_mem>>) src(%arg6 : memref<64x768xf32, #tpu.memory_space<vmem>>) dst(%dma_wait3A_48 : memref<64x768xf32, #tpu.memory_space<hbm>>)
    %dma_start3A_49 = arith.constant 2 : i32
    %dma_start3A_50 = arith.constant 0 : i32
    %dma_start3A_51 = tpu.memref_slice %arg5[%dma_start3A_49, %dma_start3A_50] : memref<8x64xi32, #tpu.memory_space<vmem>> -> memref<1x64xi32, #tpu.memory_space<vmem>>
    %dma_start3A_52 = tpu.memref_squeeze %dma_start3A_51 : memref<1x64xi32, #tpu.memory_space<vmem>> -> memref<64xi32, #tpu.memory_space<vmem>>
    %dma_start3A_53 = arith.constant 0 : i32
    %dma_start3A_54 = arith.constant 0 : i32
    %dma_start3A_55 = tpu.memref_slice %arg2[%dma_start3A_53, %dma_start3A_54] : memref<100000x768xf32, #tpu.memory_space<hbm>> -> memref<100000x768xf32, #tpu.memory_space<hbm>>
    tpu.enqueue_indirect_dma source(%dma_start3A_55 : memref<100000x768xf32, #tpu.memory_space<hbm>>) target(%arg6 : memref<64x768xf32, #tpu.memory_space<vmem>>) offsets(%dma_start3A_52 : memref<64xi32, #tpu.memory_space<vmem>>) semaphore(%arg8 : memref<!tpu.dma_semaphore, #tpu.memory_space<semaphore_mem>>)
    %dma_wait3A_56 = arith.constant 2 : i32
    %dma_wait3A_57 = arith.constant 0 : i32
    %dma_wait3A_58 = tpu.memref_slice %arg5[%dma_wait3A_56, %dma_wait3A_57] : memref<8x64xi32, #tpu.memory_space<vmem>> -> memref<1x64xi32, #tpu.memory_space<vmem>>
    %dma_wait3A_59 = tpu.memref_squeeze %dma_wait3A_58 : memref<1x64xi32, #tpu.memory_space<vmem>> -> memref<64xi32, #tpu.memory_space<vmem>>
    %dma_wait3A_60 = arith.constant 0 : i32
    %dma_wait3A_61 = arith.constant 0 : i32
    %dma_wait3A_62 = tpu.memref_slice %arg2[%dma_wait3A_60, %dma_wait3A_61] : memref<100000x768xf32, #tpu.memory_space<hbm>> -> memref<100000x768xf32, #tpu.memory_space<hbm>>
    tpu.wait_indirect_dma semaphore(%arg8 : memref<!tpu.dma_semaphore, #tpu.memory_space<semaphore_mem>>) src(%dma_wait3A_62 : memref<100000x768xf32, #tpu.memory_space<hbm>>) dst(%arg6 : memref<64x768xf32, #tpu.memory_space<vmem>>)
    %add3A_63 = arith.constant 128 : i32
    %add3A_64 = arith.addi %mul3A_2, %add3A_63 : i32
    %dma_start3A_65 = arith.constant 0 : i32
    %dma_start3A_66 = tpu.memref_slice %arg4[%add3A_64, %dma_start3A_65] : memref<16384x768xf32, #tpu.memory_space<hbm>> -> memref<64x768xf32, #tpu.memory_space<hbm>>
    %dma_start3A_67 = arith.constant 0 : i32
    %dma_start3A_68 = tpu.memref_slice %arg4[%add3A_64, %dma_start3A_67] : memref<16384x768xf32, #tpu.memory_space<hbm>> -> memref<64x768xf32, #tpu.memory_space<hbm>>
    tpu.enqueue_dma source(%arg6 : memref<64x768xf32, #tpu.memory_space<vmem>>) target(%dma_start3A_68 : memref<64x768xf32, #tpu.memory_space<hbm>>) target_semaphore(%arg10 : memref<!tpu.dma_semaphore, #tpu.memory_space<semaphore_mem>>)
    %add3A_69 = arith.constant 64 : i32
    %add3A_70 = arith.addi %mul3A_2, %add3A_69 : i32
    %dma_wait3A_71 = arith.constant 0 : i32
    %dma_wait3A_72 = tpu.memref_slice %arg4[%add3A_70, %dma_wait3A_71] : memref<16384x768xf32, #tpu.memory_space<hbm>> -> memref<64x768xf32, #tpu.memory_space<hbm>>
    %dma_wait3A_73 = arith.constant 0 : i32
    %dma_wait3A_74 = tpu.memref_slice %arg4[%add3A_70, %dma_wait3A_73] : memref<16384x768xf32, #tpu.memory_space<hbm>> -> memref<64x768xf32, #tpu.memory_space<hbm>>
    tpu.wait_dma2 semaphore(%arg11 : memref<!tpu.dma_semaphore, #tpu.memory_space<semaphore_mem>>) src(%arg7 : memref<64x768xf32, #tpu.memory_space<vmem>>) dst(%dma_wait3A_74 : memref<64x768xf32, #tpu.memory_space<hbm>>)
    %dma_start3A_75 = arith.constant 3 : i32
    %dma_start3A_76 = arith.constant 0 : i32
    %dma_start3A_77 = tpu.memref_slice %arg5[%dma_start3A_75, %dma_start3A_76] : memref<8x64xi32, #tpu.memory_space<vmem>> -> memref<1x64xi32, #tpu.memory_space<vmem>>
    %dma_start3A_78 = tpu.memref_squeeze %dma_start3A_77 : memref<1x64xi32, #tpu.memory_space<vmem>> -> memref<64xi32, #tpu.memory_space<vmem>>
    %dma_start3A_79 = arith.constant 0 : i32
    %dma_start3A_80 = arith.constant 0 : i32
    %dma_start3A_81 = tpu.memref_slice %arg2[%dma_start3A_79, %dma_start3A_80] : memref<100000x768xf32, #tpu.memory_space<hbm>> -> memref<100000x768xf32, #tpu.memory_space<hbm>>
    tpu.enqueue_indirect_dma source(%dma_start3A_81 : memref<100000x768xf32, #tpu.memory_space<hbm>>) target(%arg7 : memref<64x768xf32, #tpu.memory_space<vmem>>) offsets(%dma_start3A_78 : memref<64xi32, #tpu.memory_space<vmem>>) semaphore(%arg9 : memref<!tpu.dma_semaphore, #tpu.memory_space<semaphore_mem>>)
    %dma_wait3A_82 = arith.constant 3 : i32
    %dma_wait3A_83 = arith.constant 0 : i32
    %dma_wait3A_84 = tpu.memref_slice %arg5[%dma_wait3A_82, %dma_wait3A_83] : memref<8x64xi32, #tpu.memory_space<vmem>> -> memref<1x64xi32, #tpu.memory_space<vmem>>
    %dma_wait3A_85 = tpu.memref_squeeze %dma_wait3A_84 : memref<1x64xi32, #tpu.memory_space<vmem>> -> memref<64xi32, #tpu.memory_space<vmem>>
    %dma_wait3A_86 = arith.constant 0 : i32
    %dma_wait3A_87 = arith.constant 0 : i32
    %dma_wait3A_88 = tpu.memref_slice %arg2[%dma_wait3A_86, %dma_wait3A_87] : memref<100000x768xf32, #tpu.memory_space<hbm>> -> memref<100000x768xf32, #tpu.memory_space<hbm>>
    tpu.wait_indirect_dma semaphore(%arg9 : memref<!tpu.dma_semaphore, #tpu.memory_space<semaphore_mem>>) src(%dma_wait3A_88 : memref<100000x768xf32, #tpu.memory_space<hbm>>) dst(%arg7 : memref<64x768xf32, #tpu.memory_space<vmem>>)
    %add3A_89 = arith.constant 192 : i32
    %add3A_90 = arith.addi %mul3A_2, %add3A_89 : i32
    %dma_start3A_91 = arith.constant 0 : i32
    %dma_start3A_92 = tpu.memref_slice %arg4[%add3A_90, %dma_start3A_91] : memref<16384x768xf32, #tpu.memory_space<hbm>> -> memref<64x768xf32, #tpu.memory_space<hbm>>
    %dma_start3A_93 = arith.constant 0 : i32
    %dma_start3A_94 = tpu.memref_slice %arg4[%add3A_90, %dma_start3A_93] : memref<16384x768xf32, #tpu.memory_space<hbm>> -> memref<64x768xf32, #tpu.memory_space<hbm>>
    tpu.enqueue_dma source(%arg7 : memref<64x768xf32, #tpu.memory_space<vmem>>) target(%dma_start3A_94 : memref<64x768xf32, #tpu.memory_space<hbm>>) target_semaphore(%arg11 : memref<!tpu.dma_semaphore, #tpu.memory_space<semaphore_mem>>)
    %add3A_95 = arith.constant 128 : i32
    %add3A_96 = arith.addi %mul3A_2, %add3A_95 : i32
    %dma_wait3A_97 = arith.constant 0 : i32
    %dma_wait3A_98 = tpu.memref_slice %arg4[%add3A_96, %dma_wait3A_97] : memref<16384x768xf32, #tpu.memory_space<hbm>> -> memref<64x768xf32, #tpu.memory_space<hbm>>
    %dma_wait3A_99 = arith.constant 0 : i32
    %dma_wait3A_100 = tpu.memref_slice %arg4[%add3A_96, %dma_wait3A_99] : memref<16384x768xf32, #tpu.memory_space<hbm>> -> memref<64x768xf32, #tpu.memory_space<hbm>>
    tpu.wait_dma2 semaphore(%arg10 : memref<!tpu.dma_semaphore, #tpu.memory_space<semaphore_mem>>) src(%arg6 : memref<64x768xf32, #tpu.memory_space<vmem>>) dst(%dma_wait3A_100 : memref<64x768xf32, #tpu.memory_space<hbm>>)
    %dma_start3A_101 = arith.constant 4 : i32
    %dma_start3A_102 = arith.constant 0 : i32
    %dma_start3A_103 = tpu.memref_slice %arg5[%dma_start3A_101, %dma_start3A_102] : memref<8x64xi32, #tpu.memory_space<vmem>> -> memref<1x64xi32, #tpu.memory_space<vmem>>
    %dma_start3A_104 = tpu.memref_squeeze %dma_start3A_103 : memref<1x64xi32, #tpu.memory_space<vmem>> -> memref<64xi32, #tpu.memory_space<vmem>>
    %dma_start3A_105 = arith.constant 0 : i32
    %dma_start3A_106 = arith.constant 0 : i32
    %dma_start3A_107 = tpu.memref_slice %arg2[%dma_start3A_105, %dma_start3A_106] : memref<100000x768xf32, #tpu.memory_space<hbm>> -> memref<100000x768xf32, #tpu.memory_space<hbm>>
    tpu.enqueue_indirect_dma source(%dma_start3A_107 : memref<100000x768xf32, #tpu.memory_space<hbm>>) target(%arg6 : memref<64x768xf32, #tpu.memory_space<vmem>>) offsets(%dma_start3A_104 : memref<64xi32, #tpu.memory_space<vmem>>) semaphore(%arg8 : memref<!tpu.dma_semaphore, #tpu.memory_space<semaphore_mem>>)
    %dma_wait3A_108 = arith.constant 4 : i32
    %dma_wait3A_109 = arith.constant 0 : i32
    %dma_wait3A_110 = tpu.memref_slice %arg5[%dma_wait3A_108, %dma_wait3A_109] : memref<8x64xi32, #tpu.memory_space<vmem>> -> memref<1x64xi32, #tpu.memory_space<vmem>>
    %dma_wait3A_111 = tpu.memref_squeeze %dma_wait3A_110 : memref<1x64xi32, #tpu.memory_space<vmem>> -> memref<64xi32, #tpu.memory_space<vmem>>
    %dma_wait3A_112 = arith.constant 0 : i32
    %dma_wait3A_113 = arith.constant 0 : i32
    %dma_wait3A_114 = tpu.memref_slice %arg2[%dma_wait3A_112, %dma_wait3A_113] : memref<100000x768xf32, #tpu.memory_space<hbm>> -> memref<100000x768xf32, #tpu.memory_space<hbm>>
    tpu.wait_indirect_dma semaphore(%arg8 : memref<!tpu.dma_semaphore, #tpu.memory_space<semaphore_mem>>) src(%dma_wait3A_114 : memref<100000x768xf32, #tpu.memory_space<hbm>>) dst(%arg6 : memref<64x768xf32, #tpu.memory_space<vmem>>)
    %add3A_115 = arith.constant 256 : i32
    %add3A_116 = arith.addi %mul3A_2, %add3A_115 : i32
    %dma_start3A_117 = arith.constant 0 : i32
    %dma_start3A_118 = tpu.memref_slice %arg4[%add3A_116, %dma_start3A_117] : memref<16384x768xf32, #tpu.memory_space<hbm>> -> memref<64x768xf32, #tpu.memory_space<hbm>>
    %dma_start3A_119 = arith.constant 0 : i32
    %dma_start3A_120 = tpu.memref_slice %arg4[%add3A_116, %dma_start3A_119] : memref<16384x768xf32, #tpu.memory_space<hbm>> -> memref<64x768xf32, #tpu.memory_space<hbm>>
    tpu.enqueue_dma source(%arg6 : memref<64x768xf32, #tpu.memory_space<vmem>>) target(%dma_start3A_120 : memref<64x768xf32, #tpu.memory_space<hbm>>) target_semaphore(%arg10 : memref<!tpu.dma_semaphore, #tpu.memory_space<semaphore_mem>>)
    %add3A_121 = arith.constant 192 : i32
    %add3A_122 = arith.addi %mul3A_2, %add3A_121 : i32
    %dma_wait3A_123 = arith.constant 0 : i32
    %dma_wait3A_124 = tpu.memref_slice %arg4[%add3A_122, %dma_wait3A_123] : memref<16384x768xf32, #tpu.memory_space<hbm>> -> memref<64x768xf32, #tpu.memory_space<hbm>>
    %dma_wait3A_125 = arith.constant 0 : i32
    %dma_wait3A_126 = tpu.memref_slice %arg4[%add3A_122, %dma_wait3A_125] : memref<16384x768xf32, #tpu.memory_space<hbm>> -> memref<64x768xf32, #tpu.memory_space<hbm>>
    tpu.wait_dma2 semaphore(%arg11 : memref<!tpu.dma_semaphore, #tpu.memory_space<semaphore_mem>>) src(%arg7 : memref<64x768xf32, #tpu.memory_space<vmem>>) dst(%dma_wait3A_126 : memref<64x768xf32, #tpu.memory_space<hbm>>)
    %dma_start3A_127 = arith.constant 5 : i32
    %dma_start3A_128 = arith.constant 0 : i32
    %dma_start3A_129 = tpu.memref_slice %arg5[%dma_start3A_127, %dma_start3A_128] : memref<8x64xi32, #tpu.memory_space<vmem>> -> memref<1x64xi32, #tpu.memory_space<vmem>>
    %dma_start3A_130 = tpu.memref_squeeze %dma_start3A_129 : memref<1x64xi32, #tpu.memory_space<vmem>> -> memref<64xi32, #tpu.memory_space<vmem>>
    %dma_start3A_131 = arith.constant 0 : i32
    %dma_start3A_132 = arith.constant 0 : i32
    %dma_start3A_133 = tpu.memref_slice %arg2[%dma_start3A_131, %dma_start3A_132] : memref<100000x768xf32, #tpu.memory_space<hbm>> -> memref<100000x768xf32, #tpu.memory_space<hbm>>
    tpu.enqueue_indirect_dma source(%dma_start3A_133 : memref<100000x768xf32, #tpu.memory_space<hbm>>) target(%arg7 : memref<64x768xf32, #tpu.memory_space<vmem>>) offsets(%dma_start3A_130 : memref<64xi32, #tpu.memory_space<vmem>>) semaphore(%arg9 : memref<!tpu.dma_semaphore, #tpu.memory_space<semaphore_mem>>)
    %dma_wait3A_134 = arith.constant 5 : i32
    %dma_wait3A_135 = arith.constant 0 : i32
    %dma_wait3A_136 = tpu.memref_slice %arg5[%dma_wait3A_134, %dma_wait3A_135] : memref<8x64xi32, #tpu.memory_space<vmem>> -> memref<1x64xi32, #tpu.memory_space<vmem>>
    %dma_wait3A_137 = tpu.memref_squeeze %dma_wait3A_136 : memref<1x64xi32, #tpu.memory_space<vmem>> -> memref<64xi32, #tpu.memory_space<vmem>>
    %dma_wait3A_138 = arith.constant 0 : i32
    %dma_wait3A_139 = arith.constant 0 : i32
    %dma_wait3A_140 = tpu.memref_slice %arg2[%dma_wait3A_138, %dma_wait3A_139] : memref<100000x768xf32, #tpu.memory_space<hbm>> -> memref<100000x768xf32, #tpu.memory_space<hbm>>
    tpu.wait_indirect_dma semaphore(%arg9 : memref<!tpu.dma_semaphore, #tpu.memory_space<semaphore_mem>>) src(%dma_wait3A_140 : memref<100000x768xf32, #tpu.memory_space<hbm>>) dst(%arg7 : memref<64x768xf32, #tpu.memory_space<vmem>>)
    %add3A_141 = arith.constant 320 : i32
    %add3A_142 = arith.addi %mul3A_2, %add3A_141 : i32
    %dma_start3A_143 = arith.constant 0 : i32
    %dma_start3A_144 = tpu.memref_slice %arg4[%add3A_142, %dma_start3A_143] : memref<16384x768xf32, #tpu.memory_space<hbm>> -> memref<64x768xf32, #tpu.memory_space<hbm>>
    %dma_start3A_145 = arith.constant 0 : i32
    %dma_start3A_146 = tpu.memref_slice %arg4[%add3A_142, %dma_start3A_145] : memref<16384x768xf32, #tpu.memory_space<hbm>> -> memref<64x768xf32, #tpu.memory_space<hbm>>
    tpu.enqueue_dma source(%arg7 : memref<64x768xf32, #tpu.memory_space<vmem>>) target(%dma_start3A_146 : memref<64x768xf32, #tpu.memory_space<hbm>>) target_semaphore(%arg11 : memref<!tpu.dma_semaphore, #tpu.memory_space<semaphore_mem>>)
    %add3A_147 = arith.constant 256 : i32
    %add3A_148 = arith.addi %mul3A_2, %add3A_147 : i32
    %dma_wait3A_149 = arith.constant 0 : i32
    %dma_wait3A_150 = tpu.memref_slice %arg4[%add3A_148, %dma_wait3A_149] : memref<16384x768xf32, #tpu.memory_space<hbm>> -> memref<64x768xf32, #tpu.memory_space<hbm>>
    %dma_wait3A_151 = arith.constant 0 : i32
    %dma_wait3A_152 = tpu.memref_slice %arg4[%add3A_148, %dma_wait3A_151] : memref<16384x768xf32, #tpu.memory_space<hbm>> -> memref<64x768xf32, #tpu.memory_space<hbm>>
    tpu.wait_dma2 semaphore(%arg10 : memref<!tpu.dma_semaphore, #tpu.memory_space<semaphore_mem>>) src(%arg6 : memref<64x768xf32, #tpu.memory_space<vmem>>) dst(%dma_wait3A_152 : memref<64x768xf32, #tpu.memory_space<hbm>>)
    %dma_start3A_153 = arith.constant 6 : i32
    %dma_start3A_154 = arith.constant 0 : i32
    %dma_start3A_155 = tpu.memref_slice %arg5[%dma_start3A_153, %dma_start3A_154] : memref<8x64xi32, #tpu.memory_space<vmem>> -> memref<1x64xi32, #tpu.memory_space<vmem>>
    %dma_start3A_156 = tpu.memref_squeeze %dma_start3A_155 : memref<1x64xi32, #tpu.memory_space<vmem>> -> memref<64xi32, #tpu.memory_space<vmem>>
    %dma_start3A_157 = arith.constant 0 : i32
    %dma_start3A_158 = arith.constant 0 : i32
    %dma_start3A_159 = tpu.memref_slice %arg2[%dma_start3A_157, %dma_start3A_158] : memref<100000x768xf32, #tpu.memory_space<hbm>> -> memref<100000x768xf32, #tpu.memory_space<hbm>>
    tpu.enqueue_indirect_dma source(%dma_start3A_159 : memref<100000x768xf32, #tpu.memory_space<hbm>>) target(%arg6 : memref<64x768xf32, #tpu.memory_space<vmem>>) offsets(%dma_start3A_156 : memref<64xi32, #tpu.memory_space<vmem>>) semaphore(%arg8 : memref<!tpu.dma_semaphore, #tpu.memory_space<semaphore_mem>>)
    %dma_wait3A_160 = arith.constant 6 : i32
    %dma_wait3A_161 = arith.constant 0 : i32
    %dma_wait3A_162 = tpu.memref_slice %arg5[%dma_wait3A_160, %dma_wait3A_161] : memref<8x64xi32, #tpu.memory_space<vmem>> -> memref<1x64xi32, #tpu.memory_space<vmem>>
    %dma_wait3A_163 = tpu.memref_squeeze %dma_wait3A_162 : memref<1x64xi32, #tpu.memory_space<vmem>> -> memref<64xi32, #tpu.memory_space<vmem>>
    %dma_wait3A_164 = arith.constant 0 : i32
    %dma_wait3A_165 = arith.constant 0 : i32
    %dma_wait3A_166 = tpu.memref_slice %arg2[%dma_wait3A_164, %dma_wait3A_165] : memref<100000x768xf32, #tpu.memory_space<hbm>> -> memref<100000x768xf32, #tpu.memory_space<hbm>>
    tpu.wait_indirect_dma semaphore(%arg8 : memref<!tpu.dma_semaphore, #tpu.memory_space<semaphore_mem>>) src(%dma_wait3A_166 : memref<100000x768xf32, #tpu.memory_space<hbm>>) dst(%arg6 : memref<64x768xf32, #tpu.memory_space<vmem>>)
    %add3A_167 = arith.constant 384 : i32
    %add3A_168 = arith.addi %mul3A_2, %add3A_167 : i32
    %dma_start3A_169 = arith.constant 0 : i32
    %dma_start3A_170 = tpu.memref_slice %arg4[%add3A_168, %dma_start3A_169] : memref<16384x768xf32, #tpu.memory_space<hbm>> -> memref<64x768xf32, #tpu.memory_space<hbm>>
    %dma_start3A_171 = arith.constant 0 : i32
    %dma_start3A_172 = tpu.memref_slice %arg4[%add3A_168, %dma_start3A_171] : memref<16384x768xf32, #tpu.memory_space<hbm>> -> memref<64x768xf32, #tpu.memory_space<hbm>>
    tpu.enqueue_dma source(%arg6 : memref<64x768xf32, #tpu.memory_space<vmem>>) target(%dma_start3A_172 : memref<64x768xf32, #tpu.memory_space<hbm>>) target_semaphore(%arg10 : memref<!tpu.dma_semaphore, #tpu.memory_space<semaphore_mem>>)
    %add3A_173 = arith.constant 320 : i32
    %add3A_174 = arith.addi %mul3A_2, %add3A_173 : i32
    %dma_wait3A_175 = arith.constant 0 : i32
    %dma_wait3A_176 = tpu.memref_slice %arg4[%add3A_174, %dma_wait3A_175] : memref<16384x768xf32, #tpu.memory_space<hbm>> -> memref<64x768xf32, #tpu.memory_space<hbm>>
    %dma_wait3A_177 = arith.constant 0 : i32
    %dma_wait3A_178 = tpu.memref_slice %arg4[%add3A_174, %dma_wait3A_177] : memref<16384x768xf32, #tpu.memory_space<hbm>> -> memref<64x768xf32, #tpu.memory_space<hbm>>
    tpu.wait_dma2 semaphore(%arg11 : memref<!tpu.dma_semaphore, #tpu.memory_space<semaphore_mem>>) src(%arg7 : memref<64x768xf32, #tpu.memory_space<vmem>>) dst(%dma_wait3A_178 : memref<64x768xf32, #tpu.memory_space<hbm>>)
    %dma_start3A_179 = arith.constant 7 : i32
    %dma_start3A_180 = arith.constant 0 : i32
    %dma_start3A_181 = tpu.memref_slice %arg5[%dma_start3A_179, %dma_start3A_180] : memref<8x64xi32, #tpu.memory_space<vmem>> -> memref<1x64xi32, #tpu.memory_space<vmem>>
    %dma_start3A_182 = tpu.memref_squeeze %dma_start3A_181 : memref<1x64xi32, #tpu.memory_space<vmem>> -> memref<64xi32, #tpu.memory_space<vmem>>
    %dma_start3A_183 = arith.constant 0 : i32
    %dma_start3A_184 = arith.constant 0 : i32
    %dma_start3A_185 = tpu.memref_slice %arg2[%dma_start3A_183, %dma_start3A_184] : memref<100000x768xf32, #tpu.memory_space<hbm>> -> memref<100000x768xf32, #tpu.memory_space<hbm>>
    tpu.enqueue_indirect_dma source(%dma_start3A_185 : memref<100000x768xf32, #tpu.memory_space<hbm>>) target(%arg7 : memref<64x768xf32, #tpu.memory_space<vmem>>) offsets(%dma_start3A_182 : memref<64xi32, #tpu.memory_space<vmem>>) semaphore(%arg9 : memref<!tpu.dma_semaphore, #tpu.memory_space<semaphore_mem>>)
    %dma_wait3A_186 = arith.constant 7 : i32
    %dma_wait3A_187 = arith.constant 0 : i32
    %dma_wait3A_188 = tpu.memref_slice %arg5[%dma_wait3A_186, %dma_wait3A_187] : memref<8x64xi32, #tpu.memory_space<vmem>> -> memref<1x64xi32, #tpu.memory_space<vmem>>
    %dma_wait3A_189 = tpu.memref_squeeze %dma_wait3A_188 : memref<1x64xi32, #tpu.memory_space<vmem>> -> memref<64xi32, #tpu.memory_space<vmem>>
    %dma_wait3A_190 = arith.constant 0 : i32
    %dma_wait3A_191 = arith.constant 0 : i32
    %dma_wait3A_192 = tpu.memref_slice %arg2[%dma_wait3A_190, %dma_wait3A_191] : memref<100000x768xf32, #tpu.memory_space<hbm>> -> memref<100000x768xf32, #tpu.memory_space<hbm>>
    tpu.wait_indirect_dma semaphore(%arg9 : memref<!tpu.dma_semaphore, #tpu.memory_space<semaphore_mem>>) src(%dma_wait3A_192 : memref<100000x768xf32, #tpu.memory_space<hbm>>) dst(%arg7 : memref<64x768xf32, #tpu.memory_space<vmem>>)
    %add3A_193 = arith.constant 448 : i32
    %add3A_194 = arith.addi %mul3A_2, %add3A_193 : i32
    %dma_start3A_195 = arith.constant 0 : i32
    %dma_start3A_196 = tpu.memref_slice %arg4[%add3A_194, %dma_start3A_195] : memref<16384x768xf32, #tpu.memory_space<hbm>> -> memref<64x768xf32, #tpu.memory_space<hbm>>
    %dma_start3A_197 = arith.constant 0 : i32
    %dma_start3A_198 = tpu.memref_slice %arg4[%add3A_194, %dma_start3A_197] : memref<16384x768xf32, #tpu.memory_space<hbm>> -> memref<64x768xf32, #tpu.memory_space<hbm>>
    tpu.enqueue_dma source(%arg7 : memref<64x768xf32, #tpu.memory_space<vmem>>) target(%dma_start3A_198 : memref<64x768xf32, #tpu.memory_space<hbm>>) target_semaphore(%arg11 : memref<!tpu.dma_semaphore, #tpu.memory_space<semaphore_mem>>)
    %add3A_199 = arith.constant 384 : i32
    %add3A_200 = arith.addi %mul3A_2, %add3A_199 : i32
    %dma_wait3A_201 = arith.constant 0 : i32
    %dma_wait3A_202 = tpu.memref_slice %arg4[%add3A_200, %dma_wait3A_201] : memref<16384x768xf32, #tpu.memory_space<hbm>> -> memref<64x768xf32, #tpu.memory_space<hbm>>
    %dma_wait3A_203 = arith.constant 0 : i32
    %dma_wait3A_204 = tpu.memref_slice %arg4[%add3A_200, %dma_wait3A_203] : memref<16384x768xf32, #tpu.memory_space<hbm>> -> memref<64x768xf32, #tpu.memory_space<hbm>>
    tpu.wait_dma2 semaphore(%arg10 : memref<!tpu.dma_semaphore, #tpu.memory_space<semaphore_mem>>) src(%arg6 : memref<64x768xf32, #tpu.memory_space<vmem>>) dst(%dma_wait3A_204 : memref<64x768xf32, #tpu.memory_space<hbm>>)
    %add3A_205 = arith.constant 448 : i32
    %add3A_206 = arith.addi %mul3A_2, %add3A_205 : i32
    %dma_wait3A_207 = arith.constant 0 : i32
    %dma_wait3A_208 = tpu.memref_slice %arg4[%add3A_206, %dma_wait3A_207] : memref<16384x768xf32, #tpu.memory_space<hbm>> -> memref<64x768xf32, #tpu.memory_space<hbm>>
    %dma_wait3A_209 = arith.constant 0 : i32
    %dma_wait3A_210 = tpu.memref_slice %arg4[%add3A_206, %dma_wait3A_209] : memref<16384x768xf32, #tpu.memory_space<hbm>> -> memref<64x768xf32, #tpu.memory_space<hbm>>
    tpu.wait_dma2 semaphore(%arg11 : memref<!tpu.dma_semaphore, #tpu.memory_space<semaphore_mem>>) src(%arg7 : memref<64x768xf32, #tpu.memory_space<vmem>>) dst(%dma_wait3A_210 : memref<64x768xf32, #tpu.memory_space<hbm>>)
    return
  }
}

module attributes {stable_mosaic.version = 14 : i64} {
  func.func @body(%arg0: i32, %arg1: i32, %arg2: memref<1x512x768xf32, #tpu.memory_space<vmem>>, %arg3: memref<512x768xf32, #tpu.memory_space<vmem>>, %arg4: memref<1x1x1x512xi32, #tpu.memory_space<vmem>>, %arg5: memref<2x768xf32, #tpu.memory_space<vmem>>, %arg6: memref<1x768xf32, #tpu.memory_space<vmem>>, %arg7: memref<1x768xf32, #tpu.memory_space<vmem>>, %arg8: memref<1x512x768xf32, #tpu.memory_space<vmem>>) attributes {dimension_semantics = [#tpu.dimension_semantics<arbitrary>, #tpu.dimension_semantics<arbitrary>], iteration_bounds = array<i64: 8, 4>, scalar_prefetch = 0 : i64, scratch_operands = 0 : i64, tpu.core_type = #tpu.core_type<tc>, window_params = [{transform_indices = @transform_0, window_bounds = array<i64: 1, 512, 768>}, {transform_indices = @transform_1, window_bounds = array<i64: 512, 768>}, {transform_indices = @transform_2, window_bounds = array<i64: 1, 1, 1, 512>}, {pipeline_mode = #tpu.pipeline_mode<synchronous>, transform_indices = @transform_3, window_bounds = array<i64: 2, 768>}, {pipeline_mode = #tpu.pipeline_mode<synchronous>, transform_indices = @transform_4, window_bounds = array<i64: 1, 768>}, {pipeline_mode = #tpu.pipeline_mode<synchronous>, transform_indices = @transform_5, window_bounds = array<i64: 1, 768>}, {transform_indices = @transform_6, window_bounds = array<i64: 1, 512, 768>}]} {
    %get3A = arith.constant 0 : index
    %get3A_0 = arith.constant 0 : index
    %get3A_1 = arith.constant 0 : index
    %get3A_2 = vector.load %arg2[%get3A, %get3A_0, %get3A_1] : memref<1x512x768xf32, #tpu.memory_space<vmem>>, vector<1x512x768xf32>
    %get3A_3 = vector.shape_cast %get3A_2 : vector<1x512x768xf32> to vector<512x768xf32>
    %get3A_4 = arith.constant 0 : index
    %get3A_5 = arith.constant 0 : index
    %get3A_6 = vector.load %arg3[%get3A_4, %get3A_5] : memref<512x768xf32, #tpu.memory_space<vmem>>, vector<512x768xf32>
    %add3A = arith.addf %get3A_3, %get3A_6 : vector<512x768xf32>
    %get3A_7 = arith.constant 0 : index
    %get3A_8 = arith.constant 0 : index
    %get3A_9 = vector.load %arg5[%get3A_7, %get3A_8] : memref<2x768xf32, #tpu.memory_space<vmem>>, vector<1x768xf32>
    %get3A_10 = vector.shape_cast %get3A_9 : vector<1x768xf32> to vector<768xf32>
    %get3A_11 = arith.constant 1 : index
    %get3A_12 = arith.constant 0 : index
    %get3A_13 = vector.load %arg5[%get3A_11, %get3A_12] : memref<2x768xf32, #tpu.memory_space<vmem>>, vector<1x768xf32>
    %get3A_14 = vector.shape_cast %get3A_13 : vector<1x768xf32> to vector<768xf32>
    %get3A_15 = arith.constant 0 : index
    %get3A_16 = arith.constant 0 : index
    %get3A_17 = arith.constant 0 : index
    %get3A_18 = arith.constant 0 : index
    %get3A_19 = vector.load %arg4[%get3A_15, %get3A_16, %get3A_17, %get3A_18] : memref<1x1x1x512xi32, #tpu.memory_space<vmem>>, vector<1x1x1x512xi32>
    %get3A_20 = vector.shape_cast %get3A_19 : vector<1x1x1x512xi32> to vector<512xi32>
    %convert_element_type3A = arith.sitofp %get3A_20 : vector<512xi32> to vector<512xf32>
    %broadcast_in_dim3A = vector.shape_cast %convert_element_type3A : vector<512xf32> to vector<512x1xf32>
    %broadcast_in_dim3A_21 = vector.shape_cast %get3A_10 : vector<768xf32> to vector<1x768xf32>
    %sub3A = arith.subf %get3A_14, %get3A_10 : vector<768xf32>
    %broadcast_in_dim3A_22 = vector.shape_cast %sub3A : vector<768xf32> to vector<1x768xf32>
    %mul3A = vector.broadcast %broadcast_in_dim3A : vector<512x1xf32> to vector<512x768xf32>
    %mul3A_23 = vector.broadcast %broadcast_in_dim3A_22 : vector<1x768xf32> to vector<512x768xf32>
    %mul3A_24 = arith.mulf %mul3A, %mul3A_23 : vector<512x768xf32>
    %add3A_25 = vector.broadcast %broadcast_in_dim3A_21 : vector<1x768xf32> to vector<512x768xf32>
    %add3A_26 = arith.addf %add3A_25, %mul3A_24 : vector<512x768xf32>
    %add3A_27 = arith.addf %add3A, %add3A_26 : vector<512x768xf32>
    %reduce_sum3A = arith.constant dense<0.000000e+00> : vector<512xf32>
    %reduce_sum3A_28 = vector.multi_reduction <add>, %add3A_27, %reduce_sum3A [1] : vector<512x768xf32> to vector<512xf32>
    %broadcast_in_dim3A_29 = vector.shape_cast %reduce_sum3A_28 : vector<512xf32> to vector<512x1xf32>
    %div3A = arith.constant 7.680000e+02 : f32
    %div3A_30 = vector.broadcast %div3A : f32 to vector<512x1xf32>
    %div3A_31 = arith.divf %broadcast_in_dim3A_29, %div3A_30 : vector<512x1xf32>
    %sub3A_32 = vector.broadcast %div3A_31 : vector<512x1xf32> to vector<512x768xf32>
    %sub3A_33 = arith.subf %add3A_27, %sub3A_32 : vector<512x768xf32>
    %mul3A_34 = arith.mulf %sub3A_33, %sub3A_33 : vector<512x768xf32>
    %reduce_sum3A_35 = arith.constant dense<0.000000e+00> : vector<512xf32>
    %reduce_sum3A_36 = vector.multi_reduction <add>, %mul3A_34, %reduce_sum3A_35 [1] : vector<512x768xf32> to vector<512xf32>
    %broadcast_in_dim3A_37 = vector.shape_cast %reduce_sum3A_36 : vector<512xf32> to vector<512x1xf32>
    %div3A_38 = arith.constant 7.680000e+02 : f32
    %div3A_39 = vector.broadcast %div3A_38 : f32 to vector<512x1xf32>
    %div3A_40 = arith.divf %broadcast_in_dim3A_37, %div3A_39 : vector<512x1xf32>
    %add3A_41 = arith.constant 9.99999974E-6 : f32
    %add3A_42 = vector.broadcast %add3A_41 : f32 to vector<512x1xf32>
    %add3A_43 = arith.addf %div3A_40, %add3A_42 : vector<512x1xf32>
    %rsqrt3A = math.rsqrt %add3A_43 : vector<512x1xf32>
    %mul3A_44 = vector.broadcast %rsqrt3A : vector<512x1xf32> to vector<512x768xf32>
    %mul3A_45 = arith.mulf %sub3A_33, %mul3A_44 : vector<512x768xf32>
    %get3A_46 = arith.constant 0 : index
    %get3A_47 = arith.constant 0 : index
    %get3A_48 = vector.load %arg6[%get3A_46, %get3A_47] : memref<1x768xf32, #tpu.memory_space<vmem>>, vector<1x768xf32>
    %get3A_49 = vector.shape_cast %get3A_48 : vector<1x768xf32> to vector<768xf32>
    %broadcast_in_dim3A_50 = vector.shape_cast %get3A_49 : vector<768xf32> to vector<1x768xf32>
    %mul3A_51 = vector.broadcast %broadcast_in_dim3A_50 : vector<1x768xf32> to vector<512x768xf32>
    %mul3A_52 = arith.mulf %mul3A_45, %mul3A_51 : vector<512x768xf32>
    %get3A_53 = arith.constant 0 : index
    %get3A_54 = arith.constant 0 : index
    %get3A_55 = vector.load %arg7[%get3A_53, %get3A_54] : memref<1x768xf32, #tpu.memory_space<vmem>>, vector<1x768xf32>
    %get3A_56 = vector.shape_cast %get3A_55 : vector<1x768xf32> to vector<768xf32>
    %broadcast_in_dim3A_57 = vector.shape_cast %get3A_56 : vector<768xf32> to vector<1x768xf32>
    %add3A_58 = vector.broadcast %broadcast_in_dim3A_57 : vector<1x768xf32> to vector<512x768xf32>
    %add3A_59 = arith.addf %mul3A_52, %add3A_58 : vector<512x768xf32>
    %swap3A = arith.constant 0 : index
    %swap3A_60 = arith.constant 0 : index
    %swap3A_61 = arith.constant 0 : index
    %swap3A_62 = vector.load %arg8[%swap3A, %swap3A_60, %swap3A_61] : memref<1x512x768xf32, #tpu.memory_space<vmem>>, vector<1x512x768xf32>
    %swap3A_63 = vector.shape_cast %swap3A_62 : vector<1x512x768xf32> to vector<512x768xf32>
    %swap3A_64 = vector.shape_cast %add3A_59 : vector<512x768xf32> to vector<1x512x768xf32>
    tpu.vector_store %arg8[%swap3A, %swap3A_60, %swap3A_61], %swap3A_64 {strides = array<i32>} : memref<1x512x768xf32, #tpu.memory_space<vmem>>, vector<1x512x768xf32>,
    return
  }
  func.func @transform_0(%arg0: i32, %arg1: i32) -> (i32, i32, i32) {
    %c0_i32 = arith.constant 0 : i32
    %c0_i32_0 = arith.constant 0 : i32
    return %arg1, %arg0, %c0_i32 : i32, i32, i32
  }
  func.func @transform_1(%arg0: i32, %arg1: i32) -> (i32, i32) {
    %c0_i32 = arith.constant 0 : i32
    %c0_i32_0 = arith.constant 0 : i32
    return %arg0, %c0_i32 : i32, i32
  }
  func.func @transform_2(%arg0: i32, %arg1: i32) -> (i32, i32, i32, i32) {
    %c0_i32 = arith.constant 0 : i32
    %c0_i32_0 = arith.constant 0 : i32
    %c0_i32_1 = arith.constant 0 : i32
    return %arg1, %arg0, %c0_i32, %c0_i32_0 : i32, i32, i32, i32
  }
  func.func @transform_3(%arg0: i32, %arg1: i32) -> (i32, i32) {
    %c0_i32 = arith.constant 0 : i32
    %c0_i32_0 = arith.constant 0 : i32
    %c0_i32_1 = arith.constant 0 : i32
    return %c0_i32, %c0_i32_0 : i32, i32
  }
  func.func @transform_4(%arg0: i32, %arg1: i32) -> (i32, i32) {
    %c0_i32 = arith.constant 0 : i32
    %c0_i32_0 = arith.constant 0 : i32
    %c0_i32_1 = arith.constant 0 : i32
    return %c0_i32, %c0_i32_0 : i32, i32
  }
  func.func @transform_5(%arg0: i32, %arg1: i32) -> (i32, i32) {
    %c0_i32 = arith.constant 0 : i32
    %c0_i32_0 = arith.constant 0 : i32
    %c0_i32_1 = arith.constant 0 : i32
    return %c0_i32, %c0_i32_0 : i32, i32
  }
  func.func @transform_6(%arg0: i32, %arg1: i32) -> (i32, i32, i32) {
    %c0_i32 = arith.constant 0 : i32
    %c0_i32_0 = arith.constant 0 : i32
    return %arg1, %arg0, %c0_i32 : i32, i32, i32
  }
}

</mosaic_0001>

<sc_bundles>
// kernel: kernel.4.cloned.1.call-start
scs
__scs_entry_jumppad:
0x0: {  	(pc) =	sbr.rel $0x88, $3  }
0x1: {  	(tag) =	ssettag $0x0;
	lr =	simm.s32 $0x1  }
0x2: {  	[smem:$0x3F9A] =	sst lr;
	_ =	strace $0xD0000000  }
0x3: {  	_ = 	snop  }
0x4: {  	_ = 	snop  }
0x5: {  	_ = 	snop  }
0x6: {  	_ = 	snop  }
0x7: {  	_ = 	snop  }
__scs_overlays_trampoline_lowered:
0x8: {  	[smem:$0x3FA9] =	sst s0  }
0x9: {  	[smem:$0x3FAA] =	sst s1  }
0xa: {  	[smem:$0x3FAB] =	sst s2  }
0xb: {  	[smem:$0x3FAC] =	sst s3  }
0xc: {  	[smem:$0x3FAD] =	sst s4  }
0xd: {  	[smem:$0x3FAE] =	sst s5  }
0xe: {  	[smem:$0x3FAF] =	sst s6  }
0xf: {  	[smem:$0x3FB0] =	sst s7  }
0x10: {  	[smem:$0x3FB1] =	sst s8  }
0x11: {  	[smem:$0x3FB2] =	sst s9;
	s0 =	simm.s32 @!p0 $0x0  }
0x12: {  	s1 =	sld [smem:$0x3F98];
	s0 =	simm.s32 @p0 $0x1  }
0x13: {  	[smem:$0x3FB3] =	sst s0;
	s0 =	simm.s32 @!p1 $0x0  }
0x14: {  	s2 =	sld [smem:$0x3F97];
	s0 =	simm.s32 @p1 $0x1  }
0x15: {  	[smem:$0x3FB4] =	sst s0;
	s0 =	simm.s32 @!p2 $0x0  }
0x16: {  	s3 =	sld [smem:$0x3FDB];
	s0 =	simm.s32 @p2 $0x1  }
0x17: {  	s4 =	simm.s32 $0x1BF5;
	[smem:$0x3FB6] =	sst s0  }
0x18: {  	s0 =	sld [smem:$0x3F99];
	_ =	swait.ge [sflag:s4], $0x0  }
0x19: {  	s7 =	sld [smem:$0x3F9A]  }
0x1a: {  	s8 =	sadd.s32 $0xFFFFE003, lr  }
0x1b: {  	s9 =	sadd.s32 $0xFFFFFEF7, lr;
	s5 =	simm.s32 $0xFFFFFFFF;
	p2 =	slt.u32 s8, $0xFFFFF086  }
0x1c: {  	p1 =	slt.u32 s9, $0xF7A;
	s5 =	simm.s32 @!p2 $0x0  }
0x1d: {  	s5 =	simm.s32 @p1 $0x1;
	p0 =	seq.s32 s7, s2  }
0x1e: {  	s7 =	smul.u32 @!p0 $0xF7A, s2;
	p2 =	seq.s32 @!p0 s5, $0x0  }
0x1f: {  	s9 =	smul.u32 $0xF7A, s1;
	s8 =	simm.s32 @!p0 $0x1BF5;
	p2 =	por !p2, p0  }
0x20: {  	[sflag:s8] =	ssyncset.s32 @!p0 $0xFFFFF086;
	s6 =	sadd.s32 @!p0 s3, s7;
	s7 =	simm.s32 @!p0 $0x108  }
0x21: {  	s3 =	sadd.s32 s3, s9;
	s6 =	sadd.s32 @!p0 $0x88, s6;
	s7 =	simm.s32 @p2 $0x1082  }
0x22: {  	[simem:s7], [sflag:s8] =	dma.local @!p0 [hbm:s6], $0xF7A  }
0x23: {  	s9 =	sor.u32 $0xD0000000, s2;
	s6 =	simm.s32 $0x108;
	_ =	swait.ge @!p0 [sflag:s8], $0x0  }
0x24: {  	s3 =	sadd.s32 $0x88, s3;
	s6 =	simm.s32 @!p1 $0x1082;
	[sflag:s4] =	ssyncset.s32 $0xFFFFF086  }
0x25: {  	[simem:s6], [sflag:s4] =	dma.local [hbm:s3], $0xF7A  }
0x26: {  	[smem:$0x3F9A] =	sst s1;
	(tag) =	ssettag s2;
	_ =	strace s9  }
0x27: {  	s1 =	sld [smem:$0x3FAA]  }
0x28: {  	s2 =	sld [smem:$0x3FAB]  }
0x29: {  	s4 =	sld [smem:$0x3FAD]  }
0x2a: {  	p0 =	seq.s32 s5, $0x0;
	s5 =	sld [smem:$0x3FAE]  }
0x2b: {  	s6 =	sld [smem:$0x3FAF]  }
0x2c: {  	s7 =	sld [smem:$0x3FB0]  }
0x2d: {  	s3 =	simm.s32 $0x108;
	s8 =	sld [smem:$0x3FB1]  }
0x2e: {  	s3 =	simm.s32 @!p0 $0x1082;
	s9 =	sld [smem:$0x3FB2]  }
0x2f: {  	lr =	sadd.s32 s0, s3;
	s0 =	sld [smem:$0x3FA9]  }
0x30: {  	s3 =	sld [smem:$0x3FAC]  }
0x31: {  	[smem:$0x3FB5] =	sst s10  }
0x32: {  	s10 =	sld [smem:$0x3FB3];
	_ =	sdelay $0x3  }
0x33: {  	p0 =	seq.s32 s10, $0x1;
	s10 =	sld [smem:$0x3FB5];
	_ =	sdelay $0x3  }
0x34: {  	[smem:$0x3FB5] =	sst s10  }
0x35: {  	s10 =	sld [smem:$0x3FB4];
	_ =	sdelay $0x3  }
0x36: {  	p1 =	seq.s32 s10, $0x1;
	s10 =	sld [smem:$0x3FB5];
	_ =	sdelay $0x3  }
0x37: {  	[smem:$0x3FB5] =	sst s10  }
0x38: {  	s10 =	sld [smem:$0x3FB6]  }
0x39: {  	_ = 	snop;
	(pc) =	sbr.ind lr, $3  }
0x3a: {  	_ = 	snop  }
0x3b: {  	_ = 	snop  }
0x3c: {  	p2 =	seq.s32 s10, $0x1;
	s10 =	sld [smem:$0x3FB5]  }
0x3d: {  	_ =	shalt  }
0x3e: {  	_ =	shalt  }
0x3f: {  	_ =	shalt  }
0x40: {  	_ =	shalt  }
0x41: {  	_ =	shalt  }
0x42: {  	_ =	shalt  }
0x43: {  	_ =	shalt  }
0x44: {  	_ =	shalt  }
0x45: {  	_ =	shalt  }
0x46: {  	_ =	shalt  }
0x47: {  	_ =	shalt  }
0x48: {  	_ =	shalt  }
0x49: {  	_ =	shalt  }
0x4a: {  	_ =	shalt  }
0x4b: {  	_ =	shalt  }
0x4c: {  	_ =	shalt  }
0x4d: {  	_ =	shalt  }
0x4e: {  	_ =	shalt  }
0x4f: {  	_ =	shalt  }
0x50: {  	_ =	shalt  }
0x51: {  	_ =	shalt  }
0x52: {  	_ =	shalt  }
0x53: {  	_ =	shalt  }
0x54: {  	_ =	shalt  }
0x55: {  	_ =	shalt  }
0x56: {  	_ =	shalt  }
0x57: {  	_ =	shalt  }
0x58: {  	_ =	shalt  }
0x59: {  	_ =	shalt  }
0x5a: {  	_ =	shalt  }
0x5b: {  	_ =	shalt  }
0x5c: {  	_ =	shalt  }
0x5d: {  	_ =	shalt  }
0x5e: {  	_ =	shalt  }
0x5f: {  	_ =	shalt  }
0x60: {  	_ =	shalt  }
0x61: {  	_ =	shalt  }
0x62: {  	_ =	shalt  }
0x63: {  	_ =	shalt  }
0x64: {  	_ =	shalt  }
0x65: {  	_ =	shalt  }
0x66: {  	_ =	shalt  }
0x67: {  	_ =	shalt  }
0x68: {  	_ =	shalt  }
0x69: {  	_ =	shalt  }
0x6a: {  	_ =	shalt  }
0x6b: {  	_ =	shalt  }
0x6c: {  	_ =	shalt  }
0x6d: {  	_ =	shalt  }
0x6e: {  	_ =	shalt  }
0x6f: {  	_ =	shalt  }
0x70: {  	_ =	shalt  }
0x71: {  	_ =	shalt  }
0x72: {  	_ =	shalt  }
0x73: {  	_ =	shalt  }
0x74: {  	_ =	shalt  }
0x75: {  	_ =	shalt  }
0x76: {  	_ =	shalt  }
0x77: {  	_ =	shalt  }
0x78: {  	_ =	shalt  }
0x79: {  	_ =	shalt  }
0x7a: {  	_ =	shalt  }
0x7b: {  	_ =	shalt  }
0x7c: {  	_ =	shalt  }
0x7d: {  	_ =	shalt  }
0x7e: {  	_ =	shalt  }
0x7f: {  	_ =	shalt  }
0x80: {  	_ =	shalt  }
0x81: {  	_ =	shalt  }
0x82: {  	_ =	shalt  }
0x83: {  	_ =	shalt  }
0x84: {  	_ =	shalt  }
0x85: {  	_ =	shalt  }
0x86: {  	_ =	shalt  }
0x87: {  	_ =	shalt  }
.Lfunc_end0:
.L_simem_size_0:
called_computation_lowered:
.L_overlay_start_0:
0x88: {  	s2 =	sld [smem:$0x3FD9]  }
0x89: {  	s3 =	sld [smem:$0x3FFE];
	_ =	sdelay $0x1  }
0x8a: {  	s1 =	srdreg.scid  }
0x8b: {  	s0 =	sand.u32 $0x1, s1  }
0x8c: {  	s17 =	sshll.u32 s0, $0xA;
	s2 =	sadd.s32 s3, s2  }
0x8d: {  	s2 =	sadd.s32 s2, s17  }
0x8e: {  	[smem:$0x3FC1] =	sst s2  }
0x8f: {  	_ = 	snop  }
0x90: {  	s2 =	sld [smem:$0x3FC7]  }
0x91: {  	s18 =	sld [smem:$0x3FD0];
	(tm) =	ssettm $0x1  }
0x92: {  	s4 =	sld [smem:$0x3FFB];
	_ =	sdelay $0x3  }
0x93: {  	_ =	strace s4  }
0x94: {  	s4 =	sld [smem:$0x3FFC];
	_ =	sdelay $0x3  }
0x95: {  	_ =	strace s4  }
0x96: {  	s4 =	sld [smem:$0x3FFD];
	_ =	sdelay $0x3  }
0x97: {  	_ =	strace s4  }
0x98: {  	_ =	strace $0x8FFFFFFF  }
0x99: {  	s19 =	sld [smem:$0x3FDB];
	_ =	sdelay $0x1  }
0x9a: {  	s5 =	simm.s32 $_scs_section_size  }
0x9b: {  	s6 =	simm.s32 $_size__tile_overlayer_lowered;
	s7 =	simm.s32 $_tile_overlayer_lowered  }
0x9c: {  	s22 =	simm.s32 $0x1BFF;
	s21 =	sshll.u32 s7, $0x1;
	s4 =	sadd.s32 s5, s19  }
0x9d: {  	s8 =	simm.s32 $0x0;
	s20 =	sshll.u32 s6, $0x1;
	s6 =	sadd.s32 s21, s4  }
0x9e: {  	[timem:s8], [sflag:s22] =	dma.local [hbm:s6], s20  }
0x9f: {  	_ =	swait.ge [sflag:s22], s20  }
0xa0: {  	s5 =	ssub.s32 $0x0, s20;
	[sflag:s22] =	ssyncset.done $0x0  }
0xa1: {  	[sflag:s22] =	ssyncadd.s32 s5;
	_ =	sdelay $0x1  }
0xa2: {  	s23 =	simm.s32 $0x1B8B  }
0xa3: {  	_ =	swait.ge [sflag:s23], $0x1  }
0xa4: {  	[sflag:s23] =	ssyncset.done $0x0  }
0xa5: {  	s25 =	simm.s32 $0x1B8E;
	s24 =	sld [smem:$0x3FFE];
	[sflag:s23] =	ssyncadd.s32 $0xFFFFFFFF  }
0xa6: {  	s26 =	simm.s32 $execute0_lowered;
	[smem:$0x3FD2] =	sst s25  }
0xa7: {  	s6 =	sshll.u32 s26, $0x1;
	_ =	strace $0x80000046;
	[dreg:$0x1] =	wrdreg $0xFFFFFFFF  }
0xa8: {  	s28 =	simm.s32 $_size_execute0_lowered;
	s4 =	sadd.s32 s4, s6;
	[dreg:$0x0] =	wrdreg $0x0  }
0xa9: {  	s6 =	sshll.u32 s28, $0x1;
	[dreg:$0x2] =	wrdreg s4  }
0xaa: {  	[dreg:$0x3] =	wrdreg s6  }
0xab: {  	[dreg:$0x4] =	wrdreg $0xC0  }
0xac: {  	_ =	task [dreg:s8], $0x5FFFF  }
0xad: {  	[dreg:$0x1] =	wrdreg $0xFFFFFFFF  }
0xae: {  	[dreg:$0x0] =	wrdreg $0x60  }
0xaf: {  	[dreg:$0x2] =	wrdreg s2  }
0xb0: {  	[dreg:$0x3] =	wrdreg s18  }
0xb1: {  	[dreg:$0x4] =	wrdreg s24  }
0xb2: {  	[dreg:$0x5] =	wrdreg $0x9  }
0xb3: {  	_ =	task.clear_ibuf [dreg:s8], $0x6FFFF;
	_ =	strace $0x90000046  }
0xb4: {  	s29 =	simm.s32 $0x9;
	_ =	strace $0x80000048  }
0xb5: {  	_ =	swait.ge [sflag:s29], $0x1  }
0xb6: {  	[sflag:s29] =	ssyncadd.s32 $0xFFFFFFFF  }
0xb7: {  	_ =	strace $0x90000048  }
0xb8: {  	_ =	sfence  }
0xb9: {  	s30 =	sld [smem:$0x0];
	_ =	sdelay $0x2  }
0xba: {  	s31 =	sshll.u32 s1, $0xD;
	s1 =	sshrl.u32 s1, $0x2  }
0xbb: {  	s3 =	sand.u32 $0x4000, s31;
	s1 =	sadd.s32 s1, s30  }
0xbc: {  	s0 =	sor.u32 s3, s0;
	s1 =	sshll.u32 s1, $0x11  }
0xbd: {  	s0 =	sor.u32 s1, s0  }
0xbe: {  	s0 =	sadd.s32 $0x8F2B, s0  }
0xbf: {  	[sflag:s0] =	ssyncadd.remote.s32 $0x1  }
0xc0: {  	_ =	sfence.sel $0xFFFF  }
0xc1: {  	[dreg:$0x0] =	wrdreg $0xFFFFFFFF;
	(pc) =	sbr.abs _section_cstart, $3  }
0xc2: {  	[dreg:$0x1] =	wrdreg $0xFFFFFFFF  }
0xc3: {  	_ =	task.clear_ibuf [dreg:s8], $0x2FFFF;
	_ =	strace $0x9FFFFFFF  }
0xc4: {  	(tm) =	ssettm $0x7FFFFFFF  }
0xc5: {  	_ =	shalt  }
tec
execute0_lowered:
.L_overlay_start_1:
0x0: {  	(tag) =	ssettag $0x1  }
0x1: {  	s1 =	rddreg [dreg:$0x0]  }
0x2: {  	s0 =	rddreg [dreg:$0x1];
	s2 =	srdreg.scid  }
0x3: {  	s3 =	stileid.u32;
	s4 =	rddreg [dreg:$0x2]  }
0x4: {  	s19 =	simm.s32 $0x400;
	s8 =	simm.s32 $0xC400;
	s10 =	simm.s32 $0x2  }
0x5: {  	s11 =	simm.s32 $0x3;
	s2 =	sand.u32 $0x1, s2;
	s5 =	sshll.u32 s3, $0x1  }
0x6: {  	s12 =	simm.s32 $0x4;
	s3 =	simm.s32 $0x0;
	s5 =	sor.u32 s2, s5  }
0x7: {  	s4 =	sadd.s32 $0xE00, s4;
	s6 =	smul.u32 $0xC000, s5;
	s7 =	sshll.u32 s5, $0x7  }
0x8: {  	[smem:$0x7FF] =	sst s3;
	s5 =	smul.u32 $0x60000, s5;
	s0 =	sadd.s32 s0, s7  }
0x9: {  	_ =	strace $0x80000047;
	s6 =	sadd.s32 s4, s6;
	[dreg:$0x4] =	wrdreg s0  }
0xa: {  	s5 =	sshrl.u32 s5, $0x3;
	s23 =	sadd.s32 $0x1800, s6;
	[dreg:$0xc] =	wrdreg s6  }
0xb: {  	s24 =	sadd.s32 $0x3000, s6;
	s4 =	sadd.s32 s4, s5;
	[dreg:$0x5] =	wrdreg s23  }
0xc: {  	s2 =	ssub.s32 $0x2, s2;
	[dreg:$0x6] =	wrdreg s24;
	s25 =	sadd.s32 $0x4800, s4  }
0xd: {  	s29 =	sshrl.u32 s2, $0x1;
	s26 =	sadd.s32 $0x6000, s4;
	[dreg:$0x7] =	wrdreg s25  }
0xe: {  	s2 =	ssub.s32 s2, s29;
	s28 =	sadd.s32 $0x7800, s4;
	[dreg:$0x8] =	wrdreg s26  }
0xf: {  	v2 =	vlaneseq.u32;
	s7 =	smax.u32 s2, $0x1;
	s30 =	sadd.s32 $0x9000, s4;
	[dreg:$0x9] =	wrdreg s28  }
0x10: {  	vm0 =	vmmov $0xffff;
	v1 =	vshrl.u32 v2, $0x3;
	s5 =	sadd.s32 $0x100, s1;
	s31 =	sadd.s32 $0xA800, s4;
	[dreg:$0xa] =	wrdreg s30  }
0x11: {  	v0 =	vand.u32 $0x7, v2;
	v2 =	vor.u32 $0x8, v2;
	v1 =	vmul.u32 $0x8, v1;
	s6 =	sadd.s32 $0x200, s1;
	s4 =	simm.s32 $0x1;
	[dreg:$0xb] =	wrdreg s31  }
.LBB2_1:
0x12: {  	s13 =	rddreg [dreg:$0x4];
	s0 =	simm.s32 $0x5  }
0x13: {  	[tilespmem:s3], [sflag:$0x5] =	stream.linear.gather [hbm4b:s13+s3], $0x400, $0x38;
	[tilespmem:$0x18400] =	vst v63  }
0x14: {  	_ =	swait.ge [sflag:s0], $0x400  }
0x15: {  	[sflag:s0] =	ssyncset.done $0x0  }
0x16: {  	[sflag:s0] =	ssyncadd.s32 $0xFFFFFC00  }
0x17: {  	v3 =	vld [tilespmem:$0x0];
	_ =	sdelay $0x4  }
0x18: {  	v4 =	vshrl.u32 v3, $0x3  }
0x19: {  	v4 =	vmul.u32 $0x30, v4  }
0x1a: {  	v3 =	vand.u32 $0x7, v3  }
0x1b: {  	v3 =	vor.u32 v3, v4  }
0x1c: {  	v4 =	vperm.xlane v3, v0;
	_ =	sdelay $0x1  }
0x1d: {  	v4 =	vadd.s32 v1, v4;
	_ =	sdelay $0x3  }
0x1e: {  	v3 =	vperm.xlane v3, v2  }
0x1f: {  	[tilespmem:s19], [sflag:$0x1] =	stream.indirect_vreg.gather [hbm4b:s1+s3], $0x80, v4, vm0, $0xb8;
	[tilespmem:$0x18400] =	vst v63  }
0x20: {  	s0 =	simm.s32 $0xC00;
	v3 =	vadd.s32 v1, v3  }
0x21: {  	[tilespmem:s0], [sflag:$0x1] =	stream.indirect_vreg.gather [hbm4b:s5+s3], $0x80, v4, vm0, $0xb8;
	[tilespmem:$0x18400] =	vst v63  }
0x22: {  	s2 =	simm.s32 $0x1400  }
0x23: {  	[tilespmem:s2], [sflag:$0x1] =	stream.indirect_vreg.gather [hbm4b:s6+s3], $0x80, v4, vm0, $0xb8;
	[tilespmem:$0x18400] =	vst v63  }
0x24: {  	s9 =	simm.s32 $0x1C00  }
0x25: {  	[tilespmem:s9], [sflag:$0x1] =	stream.indirect_vreg.gather [hbm4b:s1+s3], $0x80, v3, vm0, $0xb8;
	[tilespmem:$0x18400] =	vst v63  }
0x26: {  	s13 =	simm.s32 $0x2400  }
0x27: {  	[tilespmem:s13], [sflag:$0x1] =	stream.indirect_vreg.gather [hbm4b:s5+s3], $0x80, v3, vm0, $0xb8;
	[tilespmem:$0x18400] =	vst v63  }
0x28: {  	s14 =	simm.s32 $0x2C00  }
0x29: {  	[tilespmem:s14], [sflag:$0x1] =	stream.indirect_vreg.gather [hbm4b:s6+s3], $0x80, v3, vm0, $0xb8;
	[tilespmem:$0x18400] =	vst v63  }
0x2a: {  	v3 =	vld [tilespmem:$0x10];
	_ =	sdelay $0x4  }
0x2b: {  	v33 =	vshrl.u32 v3, $0x3  }
0x2c: {  	v4 =	vmul.u32 $0x30, v33  }
0x2d: {  	v3 =	vand.u32 $0x7, v3  }
0x2e: {  	v3 =	vor.u32 v3, v4  }
0x2f: {  	v4 =	vperm.xlane v3, v0;
	_ =	sdelay $0x1  }
0x30: {  	v4 =	vadd.s32 v1, v4;
	_ =	sdelay $0x3  }
0x31: {  	s15 =	simm.s32 $0x3400;
	v3 =	vperm.xlane v3, v2  }
0x32: {  	[tilespmem:s15], [sflag:$0x1] =	stream.indirect_vreg.gather [hbm4b:s1+s3], $0x80, v4, vm0, $0xb8;
	[tilespmem:$0x18400] =	vst v63  }
0x33: {  	s16 =	simm.s32 $0x3C00;
	v3 =	vadd.s32 v1, v3  }
0x34: {  	[tilespmem:s16], [sflag:$0x1] =	stream.indirect_vreg.gather [hbm4b:s5+s3], $0x80, v4, vm0, $0xb8;
	[tilespmem:$0x18400] =	vst v63  }
0x35: {  	s17 =	simm.s32 $0x4400  }
0x36: {  	[tilespmem:s17], [sflag:$0x1] =	stream.indirect_vreg.gather [hbm4b:s6+s3], $0x80, v4, vm0, $0xb8;
	[tilespmem:$0x18400] =	vst v63  }
0x37: {  	s18 =	simm.s32 $0x4C00  }
0x38: {  	[tilespmem:s18], [sflag:$0x1] =	stream.indirect_vreg.gather [hbm4b:s1+s3], $0x80, v3, vm0, $0xb8;
	[tilespmem:$0x18400] =	vst v63  }
0x39: {  	s20 =	simm.s32 $0x5400  }
0x3a: {  	[tilespmem:s20], [sflag:$0x1] =	stream.indirect_vreg.gather [hbm4b:s5+s3], $0x80, v3, vm0, $0xb8;
	[tilespmem:$0x18400] =	vst v63  }
0x3b: {  	s21 =	simm.s32 $0x5C00  }
0x3c: {  	[tilespmem:s21], [sflag:$0x1] =	stream.indirect_vreg.gather [hbm4b:s6+s3], $0x80, v3, vm0, $0xb8;
	[tilespmem:$0x18400] =	vst v63  }
0x3d: {  	v3 =	vld [tilespmem:$0x20];
	_ =	sdelay $0x4  }
0x3e: {  	v34 =	vshrl.u32 v3, $0x3  }
0x3f: {  	v4 =	vmul.u32 $0x30, v34  }
0x40: {  	v3 =	vand.u32 $0x7, v3  }
0x41: {  	v3 =	vor.u32 v3, v4  }
0x42: {  	v4 =	vperm.xlane v3, v0;
	_ =	sdelay $0x1  }
0x43: {  	v4 =	vadd.s32 v1, v4;
	_ =	sdelay $0x3  }
0x44: {  	s22 =	simm.s32 $0x6400;
	v3 =	vperm.xlane v3, v2  }
0x45: {  	[tilespmem:s22], [sflag:$0x1] =	stream.indirect_vreg.gather [hbm4b:s1+s3], $0x80, v4, vm0, $0xb8;
	[tilespmem:$0x18400] =	vst v63  }
0x46: {  	s23 =	simm.s32 $0x6C00;
	v3 =	vadd.s32 v1, v3  }
0x47: {  	[tilespmem:s23], [sflag:$0x1] =	stream.indirect_vreg.gather [hbm4b:s5+s3], $0x80, v4, vm0, $0xb8;
	[tilespmem:$0x18400] =	vst v63  }
0x48: {  	s24 =	simm.s32 $0x7400  }
0x49: {  	[tilespmem:s24], [sflag:$0x1] =	stream.indirect_vreg.gather [hbm4b:s6+s3], $0x80, v4, vm0, $0xb8;
	[tilespmem:$0x18400] =	vst v63  }
0x4a: {  	s25 =	simm.s32 $0x7C00  }
0x4b: {  	[tilespmem:s25], [sflag:$0x1] =	stream.indirect_vreg.gather [hbm4b:s1+s3], $0x80, v3, vm0, $0xb8;
	[tilespmem:$0x18400] =	vst v63  }
0x4c: {  	s28 =	simm.s32 $0x8400  }
0x4d: {  	[tilespmem:s28], [sflag:$0x1] =	stream.indirect_vreg.gather [hbm4b:s5+s3], $0x80, v3, vm0, $0xb8;
	[tilespmem:$0x18400] =	vst v63  }
0x4e: {  	s29 =	simm.s32 $0x8C00  }
0x4f: {  	[tilespmem:s29], [sflag:$0x1] =	stream.indirect_vreg.gather [hbm4b:s6+s3], $0x80, v3, vm0, $0xb8;
	[tilespmem:$0x18400] =	vst v63  }
0x50: {  	v3 =	vld [tilespmem:$0x30];
	_ =	sdelay $0x4  }
0x51: {  	v35 =	vshrl.u32 v3, $0x3  }
0x52: {  	v4 =	vmul.u32 $0x30, v35  }
0x53: {  	v3 =	vand.u32 $0x7, v3  }
0x54: {  	v3 =	vor.u32 v3, v4  }
0x55: {  	v4 =	vperm.xlane v3, v0;
	_ =	sdelay $0x1  }
0x56: {  	v4 =	vadd.s32 v1, v4;
	_ =	sdelay $0x3  }
0x57: {  	s30 =	simm.s32 $0x9400;
	v3 =	vperm.xlane v3, v2  }
0x58: {  	[tilespmem:s30], [sflag:$0x1] =	stream.indirect_vreg.gather [hbm4b:s1+s3], $0x80, v4, vm0, $0xb8;
	[tilespmem:$0x18400] =	vst v63  }
0x59: {  	s2 =	simm.s32 $0x9C00;
	v3 =	vadd.s32 v1, v3  }
0x5a: {  	[tilespmem:s2], [sflag:$0x1] =	stream.indirect_vreg.gather [hbm4b:s5+s3], $0x80, v4, vm0, $0xb8;
	[tilespmem:$0x18400] =	vst v63  }
0x5b: {  	s9 =	simm.s32 $0xA400  }
0x5c: {  	[tilespmem:s9], [sflag:$0x1] =	stream.indirect_vreg.gather [hbm4b:s6+s3], $0x80, v4, vm0, $0xb8;
	[tilespmem:$0x18400] =	vst v63  }
0x5d: {  	s13 =	simm.s32 $0xAC00  }
0x5e: {  	[tilespmem:s13], [sflag:$0x1] =	stream.indirect_vreg.gather [hbm4b:s1+s3], $0x80, v3, vm0, $0xb8;
	[tilespmem:$0x18400] =	vst v63  }
0x5f: {  	s17 =	simm.s32 $0xB400  }
0x60: {  	[tilespmem:s17], [sflag:$0x1] =	stream.indirect_vreg.gather [hbm4b:s5+s3], $0x80, v3, vm0, $0xb8;
	[tilespmem:$0x18400] =	vst v63  }
0x61: {  	s18 =	simm.s32 $0xBC00  }
0x62: {  	[tilespmem:s18], [sflag:$0x1] =	stream.indirect_vreg.gather [hbm4b:s6+s3], $0x80, v3, vm0, $0xb8;
	[tilespmem:$0x18400] =	vst v63  }
0x63: {  	_ =	swait.ge [sflag:s4], $0xC000  }
0x64: {  	[sflag:s4] =	ssyncset.done $0x0  }
0x65: {  	s20 =	rddreg [dreg:$0xc];
	[sflag:s4] =	ssyncadd.s32 $0xFFFF4000  }
0x66: {  	[hbm4b:s20+s3] =	stream.linear.scatter [tilespmem:s19], [sflag:$0x3], $0xC000, $0x38;
	[tilespmem:$0x18400] =	vst v63  }
0x67: {  	v3 =	vld [tilespmem:$0x80];
	_ =	sdelay $0x4  }
0x68: {  	v36 =	vshrl.u32 v3, $0x3  }
0x69: {  	v4 =	vmul.u32 $0x30, v36  }
0x6a: {  	v3 =	vand.u32 $0x7, v3  }
0x6b: {  	v3 =	vor.u32 v3, v4  }
0x6c: {  	v4 =	vperm.xlane v3, v0;
	_ =	sdelay $0x1  }
0x6d: {  	v4 =	vadd.s32 v1, v4;
	_ =	sdelay $0x3  }
0x6e: {  	v3 =	vperm.xlane v3, v2  }
0x6f: {  	[tilespmem:s8], [sflag:$0x2] =	stream.indirect_vreg.gather [hbm4b:s1+s3], $0x80, v4, vm0, $0xb8;
	[tilespmem:$0x18400] =	vst v63  }
0x70: {  	s21 =	simm.s32 $0xCC00;
	v3 =	vadd.s32 v1, v3  }
0x71: {  	[tilespmem:s21], [sflag:$0x2] =	stream.indirect_vreg.gather [hbm4b:s5+s3], $0x80, v4, vm0, $0xb8;
	[tilespmem:$0x18400] =	vst v63  }
0x72: {  	s22 =	simm.s32 $0xD400  }
0x73: {  	[tilespmem:s22], [sflag:$0x2] =	stream.indirect_vreg.gather [hbm4b:s6+s3], $0x80, v4, vm0, $0xb8;
	[tilespmem:$0x18400] =	vst v63  }
0x74: {  	s23 =	simm.s32 $0xDC00  }
0x75: {  	[tilespmem:s23], [sflag:$0x2] =	stream.indirect_vreg.gather [hbm4b:s1+s3], $0x80, v3, vm0, $0xb8;
	[tilespmem:$0x18400] =	vst v63  }
0x76: {  	s24 =	simm.s32 $0xE400  }
0x77: {  	[tilespmem:s24], [sflag:$0x2] =	stream.indirect_vreg.gather [hbm4b:s5+s3], $0x80, v3, vm0, $0xb8;
	[tilespmem:$0x18400] =	vst v63  }
0x78: {  	s25 =	simm.s32 $0xEC00  }
0x79: {  	[tilespmem:s25], [sflag:$0x2] =	stream.indirect_vreg.gather [hbm4b:s6+s3], $0x80, v3, vm0, $0xb8;
	[tilespmem:$0x18400] =	vst v63  }
0x7a: {  	v3 =	vld [tilespmem:$0x90];
	_ =	sdelay $0x4  }
0x7b: {  	v37 =	vshrl.u32 v3, $0x3  }
0x7c: {  	v4 =	vmul.u32 $0x30, v37  }
0x7d: {  	v3 =	vand.u32 $0x7, v3  }
0x7e: {  	v3 =	vor.u32 v3, v4  }
0x7f: {  	v4 =	vperm.xlane v3, v0;
	_ =	sdelay $0x1  }
0x80: {  	v4 =	vadd.s32 v1, v4;
	_ =	sdelay $0x3  }
0x81: {  	s28 =	simm.s32 $0xF400;
	v3 =	vperm.xlane v3, v2  }
0x82: {  	[tilespmem:s28], [sflag:$0x2] =	stream.indirect_vreg.gather [hbm4b:s1+s3], $0x80, v4, vm0, $0xb8;
	[tilespmem:$0x18400] =	vst v63  }
0x83: {  	s29 =	simm.s32 $0xFC00;
	v3 =	vadd.s32 v1, v3  }
0x84: {  	[tilespmem:s29], [sflag:$0x2] =	stream.indirect_vreg.gather [hbm4b:s5+s3], $0x80, v4, vm0, $0xb8;
	[tilespmem:$0x18400] =	vst v63  }
0x85: {  	s30 =	simm.s32 $0x10400  }
0x86: {  	[tilespmem:s30], [sflag:$0x2] =	stream.indirect_vreg.gather [hbm4b:s6+s3], $0x80, v4, vm0, $0xb8;
	[tilespmem:$0x18400] =	vst v63  }
0x87: {  	s0 =	simm.s32 $0x10C00  }
0x88: {  	[tilespmem:s0], [sflag:$0x2] =	stream.indirect_vreg.gather [hbm4b:s1+s3], $0x80, v3, vm0, $0xb8;
	[tilespmem:$0x18400] =	vst v63  }
0x89: {  	s2 =	simm.s32 $0x11400  }
0x8a: {  	[tilespmem:s2], [sflag:$0x2] =	stream.indirect_vreg.gather [hbm4b:s5+s3], $0x80, v3, vm0, $0xb8;
	[tilespmem:$0x18400] =	vst v63  }
0x8b: {  	s9 =	simm.s32 $0x11C00  }
0x8c: {  	[tilespmem:s9], [sflag:$0x2] =	stream.indirect_vreg.gather [hbm4b:s6+s3], $0x80, v3, vm0, $0xb8;
	[tilespmem:$0x18400] =	vst v63  }
0x8d: {  	v3 =	vld [tilespmem:$0xA0];
	_ =	sdelay $0x4  }
0x8e: {  	v38 =	vshrl.u32 v3, $0x3  }
0x8f: {  	v4 =	vmul.u32 $0x30, v38  }
0x90: {  	v3 =	vand.u32 $0x7, v3  }
0x91: {  	v3 =	vor.u32 v3, v4  }
0x92: {  	v4 =	vperm.xlane v3, v0;
	_ =	sdelay $0x1  }
0x93: {  	v4 =	vadd.s32 v1, v4;
	_ =	sdelay $0x3  }
0x94: {  	s17 =	simm.s32 $0x12400;
	v3 =	vperm.xlane v3, v2  }
0x95: {  	[tilespmem:s17], [sflag:$0x2] =	stream.indirect_vreg.gather [hbm4b:s1+s3], $0x80, v4, vm0, $0xb8;
	[tilespmem:$0x18400] =	vst v63  }
0x96: {  	s21 =	simm.s32 $0x12C00;
	v3 =	vadd.s32 v1, v3  }
0x97: {  	[tilespmem:s21], [sflag:$0x2] =	stream.indirect_vreg.gather [hbm4b:s5+s3], $0x80, v4, vm0, $0xb8;
	[tilespmem:$0x18400] =	vst v63  }
0x98: {  	s22 =	simm.s32 $0x13400  }
0x99: {  	[tilespmem:s22], [sflag:$0x2] =	stream.indirect_vreg.gather [hbm4b:s6+s3], $0x80, v4, vm0, $0xb8;
	[tilespmem:$0x18400] =	vst v63  }
0x9a: {  	s23 =	simm.s32 $0x13C00  }
0x9b: {  	[tilespmem:s23], [sflag:$0x2] =	stream.indirect_vreg.gather [hbm4b:s1+s3], $0x80, v3, vm0, $0xb8;
	[tilespmem:$0x18400] =	vst v63  }
0x9c: {  	s24 =	simm.s32 $0x14400  }
0x9d: {  	[tilespmem:s24], [sflag:$0x2] =	stream.indirect_vreg.gather [hbm4b:s5+s3], $0x80, v3, vm0, $0xb8;
	[tilespmem:$0x18400] =	vst v63  }
0x9e: {  	s25 =	simm.s32 $0x14C00  }
0x9f: {  	[tilespmem:s25], [sflag:$0x2] =	stream.indirect_vreg.gather [hbm4b:s6+s3], $0x80, v3, vm0, $0xb8;
	[tilespmem:$0x18400] =	vst v63  }
0xa0: {  	v3 =	vld [tilespmem:$0xB0];
	_ =	sdelay $0x4  }
0xa1: {  	v39 =	vshrl.u32 v3, $0x3  }
0xa2: {  	v4 =	vmul.u32 $0x30, v39  }
0xa3: {  	v3 =	vand.u32 $0x7, v3  }
0xa4: {  	v3 =	vor.u32 v3, v4  }
0xa5: {  	v4 =	vperm.xlane v3, v0;
	_ =	sdelay $0x1  }
0xa6: {  	v4 =	vadd.s32 v1, v4;
	_ =	sdelay $0x3  }
0xa7: {  	s28 =	simm.s32 $0x15400;
	v3 =	vperm.xlane v3, v2  }
0xa8: {  	[tilespmem:s28], [sflag:$0x2] =	stream.indirect_vreg.gather [hbm4b:s1+s3], $0x80, v4, vm0, $0xb8;
	[tilespmem:$0x18400] =	vst v63  }
0xa9: {  	s29 =	simm.s32 $0x15C00;
	v3 =	vadd.s32 v1, v3  }
0xaa: {  	[tilespmem:s29], [sflag:$0x2] =	stream.indirect_vreg.gather [hbm4b:s5+s3], $0x80, v4, vm0, $0xb8;
	[tilespmem:$0x18400] =	vst v63  }
0xab: {  	s30 =	simm.s32 $0x16400  }
0xac: {  	[tilespmem:s30], [sflag:$0x2] =	stream.indirect_vreg.gather [hbm4b:s6+s3], $0x80, v4, vm0, $0xb8;
	[tilespmem:$0x18400] =	vst v63  }
0xad: {  	s0 =	simm.s32 $0x16C00  }
0xae: {  	[tilespmem:s0], [sflag:$0x2] =	stream.indirect_vreg.gather [hbm4b:s1+s3], $0x80, v3, vm0, $0xb8;
	[tilespmem:$0x18400] =	vst v63  }
0xaf: {  	s2 =	simm.s32 $0x17400  }
0xb0: {  	[tilespmem:s2], [sflag:$0x2] =	stream.indirect_vreg.gather [hbm4b:s5+s3], $0x80, v3, vm0, $0xb8;
	[tilespmem:$0x18400] =	vst v63  }
0xb1: {  	s9 =	simm.s32 $0x17C00  }
0xb2: {  	[tilespmem:s9], [sflag:$0x2] =	stream.indirect_vreg.gather [hbm4b:s6+s3], $0x80, v3, vm0, $0xb8;
	[tilespmem:$0x18400] =	vst v63  }
0xb3: {  	_ =	swait.ge [sflag:s10], $0xC000  }
0xb4: {  	[sflag:s10] =	ssyncset.done $0x0  }
0xb5: {  	s17 =	rddreg [dreg:$0x5];
	[sflag:s10] =	ssyncadd.s32 $0xFFFF4000  }
0xb6: {  	[hbm4b:s17+s3] =	stream.linear.scatter [tilespmem:s8], [sflag:$0x4], $0xC000, $0x38;
	[tilespmem:$0x18400] =	vst v63  }
0xb7: {  	_ =	swait.ge [sflag:s11], $0xC000  }
0xb8: {  	[sflag:s11] =	ssyncset.done $0x0  }
0xb9: {  	[sflag:s11] =	ssyncadd.s32 $0xFFFF4000  }
0xba: {  	v3 =	vld [tilespmem:$0x100];
	_ =	sdelay $0x4  }
0xbb: {  	v40 =	vshrl.u32 v3, $0x3  }
0xbc: {  	v4 =	vmul.u32 $0x30, v40  }
0xbd: {  	v3 =	vand.u32 $0x7, v3  }
0xbe: {  	v3 =	vor.u32 v3, v4  }
0xbf: {  	v4 =	vperm.xlane v3, v0;
	_ =	sdelay $0x1  }
0xc0: {  	v4 =	vadd.s32 v1, v4;
	_ =	sdelay $0x3  }
0xc1: {  	v3 =	vperm.xlane v3, v2  }
0xc2: {  	[tilespmem:s19], [sflag:$0x1] =	stream.indirect_vreg.gather [hbm4b:s1+s3], $0x80, v4, vm0, $0xb8;
	[tilespmem:$0x18400] =	vst v63  }
0xc3: {  	s0 =	simm.s32 $0xC00;
	v3 =	vadd.s32 v1, v3  }
0xc4: {  	[tilespmem:s0], [sflag:$0x1] =	stream.indirect_vreg.gather [hbm4b:s5+s3], $0x80, v4, vm0, $0xb8;
	[tilespmem:$0x18400] =	vst v63  }
0xc5: {  	s2 =	simm.s32 $0x1400  }
0xc6: {  	[tilespmem:s2], [sflag:$0x1] =	stream.indirect_vreg.gather [hbm4b:s6+s3], $0x80, v4, vm0, $0xb8;
	[tilespmem:$0x18400] =	vst v63  }
0xc7: {  	s9 =	simm.s32 $0x1C00  }
0xc8: {  	[tilespmem:s9], [sflag:$0x1] =	stream.indirect_vreg.gather [hbm4b:s1+s3], $0x80, v3, vm0, $0xb8;
	[tilespmem:$0x18400] =	vst v63  }
0xc9: {  	s21 =	simm.s32 $0x2400  }
0xca: {  	[tilespmem:s21], [sflag:$0x1] =	stream.indirect_vreg.gather [hbm4b:s5+s3], $0x80, v3, vm0, $0xb8;
	[tilespmem:$0x18400] =	vst v63  }
0xcb: {  	s14 =	simm.s32 $0x2C00  }
0xcc: {  	[tilespmem:s14], [sflag:$0x1] =	stream.indirect_vreg.gather [hbm4b:s6+s3], $0x80, v3, vm0, $0xb8;
	[tilespmem:$0x18400] =	vst v63  }
0xcd: {  	v3 =	vld [tilespmem:$0x110];
	_ =	sdelay $0x4  }
0xce: {  	v41 =	vshrl.u32 v3, $0x3  }
0xcf: {  	v4 =	vmul.u32 $0x30, v41  }
0xd0: {  	v3 =	vand.u32 $0x7, v3  }
0xd1: {  	v3 =	vor.u32 v3, v4  }
0xd2: {  	v4 =	vperm.xlane v3, v0;
	_ =	sdelay $0x1  }
0xd3: {  	v4 =	vadd.s32 v1, v4;
	_ =	sdelay $0x3  }
0xd4: {  	s15 =	simm.s32 $0x3400;
	v3 =	vperm.xlane v3, v2  }
0xd5: {  	[tilespmem:s15], [sflag:$0x1] =	stream.indirect_vreg.gather [hbm4b:s1+s3], $0x80, v4, vm0, $0xb8;
	[tilespmem:$0x18400] =	vst v63  }
0xd6: {  	s22 =	simm.s32 $0x3C00;
	v3 =	vadd.s32 v1, v3  }
0xd7: {  	[tilespmem:s22], [sflag:$0x1] =	stream.indirect_vreg.gather [hbm4b:s5+s3], $0x80, v4, vm0, $0xb8;
	[tilespmem:$0x18400] =	vst v63  }
0xd8: {  	s23 =	simm.s32 $0x4400  }
0xd9: {  	[tilespmem:s23], [sflag:$0x1] =	stream.indirect_vreg.gather [hbm4b:s6+s3], $0x80, v4, vm0, $0xb8;
	[tilespmem:$0x18400] =	vst v63  }
0xda: {  	s24 =	simm.s32 $0x4C00  }
0xdb: {  	[tilespmem:s24], [sflag:$0x1] =	stream.indirect_vreg.gather [hbm4b:s1+s3], $0x80, v3, vm0, $0xb8;
	[tilespmem:$0x18400] =	vst v63  }
0xdc: {  	s25 =	simm.s32 $0x5400  }
0xdd: {  	[tilespmem:s25], [sflag:$0x1] =	stream.indirect_vreg.gather [hbm4b:s5+s3], $0x80, v3, vm0, $0xb8;
	[tilespmem:$0x18400] =	vst v63  }
0xde: {  	s16 =	simm.s32 $0x5C00  }
0xdf: {  	[tilespmem:s16], [sflag:$0x1] =	stream.indirect_vreg.gather [hbm4b:s6+s3], $0x80, v3, vm0, $0xb8;
	[tilespmem:$0x18400] =	vst v63  }
0xe0: {  	v3 =	vld [tilespmem:$0x120];
	_ =	sdelay $0x4  }
0xe1: {  	v42 =	vshrl.u32 v3, $0x3  }
0xe2: {  	v4 =	vmul.u32 $0x30, v42  }
0xe3: {  	v3 =	vand.u32 $0x7, v3  }
0xe4: {  	v3 =	vor.u32 v3, v4  }
0xe5: {  	v4 =	vperm.xlane v3, v0;
	_ =	sdelay $0x1  }
0xe6: {  	v4 =	vadd.s32 v1, v4;
	_ =	sdelay $0x3  }
0xe7: {  	s26 =	simm.s32 $0x6400;
	v3 =	vperm.xlane v3, v2  }
0xe8: {  	[tilespmem:s26], [sflag:$0x1] =	stream.indirect_vreg.gather [hbm4b:s1+s3], $0x80, v4, vm0, $0xb8;
	[tilespmem:$0x18400] =	vst v63  }
0xe9: {  	v3 =	vadd.s32 v1, v3;
	s26 =	simm.s32 $0x6C00  }
0xea: {  	[tilespmem:s26], [sflag:$0x1] =	stream.indirect_vreg.gather [hbm4b:s5+s3], $0x80, v4, vm0, $0xb8;
	[tilespmem:$0x18400] =	vst v63  }
0xeb: {  	s28 =	simm.s32 $0x7400  }
0xec: {  	[tilespmem:s28], [sflag:$0x1] =	stream.indirect_vreg.gather [hbm4b:s6+s3], $0x80, v4, vm0, $0xb8;
	[tilespmem:$0x18400] =	vst v63  }
0xed: {  	s29 =	simm.s32 $0x7C00  }
0xee: {  	[tilespmem:s29], [sflag:$0x1] =	stream.indirect_vreg.gather [hbm4b:s1+s3], $0x80, v3, vm0, $0xb8;
	[tilespmem:$0x18400] =	vst v63  }
0xef: {  	s30 =	simm.s32 $0x8400  }
0xf0: {  	[tilespmem:s30], [sflag:$0x1] =	stream.indirect_vreg.gather [hbm4b:s5+s3], $0x80, v3, vm0, $0xb8;
	[tilespmem:$0x18400] =	vst v63  }
0xf1: {  	s31 =	simm.s32 $0x8C00  }
0xf2: {  	[tilespmem:s31], [sflag:$0x1] =	stream.indirect_vreg.gather [hbm4b:s6+s3], $0x80, v3, vm0, $0xb8;
	[tilespmem:$0x18400] =	vst v63  }
0xf3: {  	v3 =	vld [tilespmem:$0x130];
	_ =	sdelay $0x4  }
0xf4: {  	v43 =	vshrl.u32 v3, $0x3  }
0xf5: {  	v4 =	vmul.u32 $0x30, v43  }
0xf6: {  	v3 =	vand.u32 $0x7, v3  }
0xf7: {  	v3 =	vor.u32 v3, v4  }
0xf8: {  	v4 =	vperm.xlane v3, v0;
	_ =	sdelay $0x1  }
0xf9: {  	v4 =	vadd.s32 v1, v4;
	_ =	sdelay $0x3  }
0xfa: {  	s17 =	simm.s32 $0x9400;
	v3 =	vperm.xlane v3, v2  }
0xfb: {  	[tilespmem:s17], [sflag:$0x1] =	stream.indirect_vreg.gather [hbm4b:s1+s3], $0x80, v4, vm0, $0xb8;
	[tilespmem:$0x18400] =	vst v63  }
0xfc: {  	s31 =	simm.s32 $0x9C00;
	v3 =	vadd.s32 v1, v3  }
0xfd: {  	[tilespmem:s31], [sflag:$0x1] =	stream.indirect_vreg.gather [hbm4b:s5+s3], $0x80, v4, vm0, $0xb8;
	[tilespmem:$0x18400] =	vst v63  }
0xfe: {  	s14 =	simm.s32 $0xA400  }
0xff: {  	[tilespmem:s14], [sflag:$0x1] =	stream.indirect_vreg.gather [hbm4b:s6+s3], $0x80, v4, vm0, $0xb8;
	[tilespmem:$0x18400] =	vst v63  }
0x100: {  	s15 =	simm.s32 $0xAC00  }
0x101: {  	[tilespmem:s15], [sflag:$0x1] =	stream.indirect_vreg.gather [hbm4b:s1+s3], $0x80, v3, vm0, $0xb8;
	[tilespmem:$0x18400] =	vst v63  }
0x102: {  	s16 =	simm.s32 $0xB400  }
0x103: {  	[tilespmem:s16], [sflag:$0x1] =	stream.indirect_vreg.gather [hbm4b:s5+s3], $0x80, v3, vm0, $0xb8;
	[tilespmem:$0x18400] =	vst v63  }
0x104: {  	s18 =	simm.s32 $0xBC00  }
0x105: {  	[tilespmem:s18], [sflag:$0x1] =	stream.indirect_vreg.gather [hbm4b:s6+s3], $0x80, v3, vm0, $0xb8;
	[tilespmem:$0x18400] =	vst v63  }
0x106: {  	_ =	swait.ge [sflag:s4], $0xC000  }
0x107: {  	[sflag:s4] =	ssyncset.done $0x0  }
0x108: {  	s18 =	rddreg [dreg:$0x6];
	[sflag:s4] =	ssyncadd.s32 $0xFFFF4000  }
0x109: {  	[hbm4b:s18+s3] =	stream.linear.scatter [tilespmem:s19], [sflag:$0x3], $0xC000, $0x38;
	[tilespmem:$0x18400] =	vst v63  }
0x10a: {  	_ =	swait.ge [sflag:s12], $0xC000  }
0x10b: {  	[sflag:s12] =	ssyncset.done $0x0  }
0x10c: {  	[sflag:s12] =	ssyncadd.s32 $0xFFFF4000  }
0x10d: {  	v3 =	vld [tilespmem:$0x180];
	_ =	sdelay $0x4  }
0x10e: {  	v44 =	vshrl.u32 v3, $0x3  }
0x10f: {  	v4 =	vmul.u32 $0x30, v44  }
0x110: {  	v3 =	vand.u32 $0x7, v3  }
0x111: {  	v3 =	vor.u32 v3, v4  }
0x112: {  	v4 =	vperm.xlane v3, v0;
	_ =	sdelay $0x1  }
0x113: {  	v4 =	vadd.s32 v1, v4;
	_ =	sdelay $0x3  }
0x114: {  	v3 =	vperm.xlane v3, v2  }
0x115: {  	[tilespmem:s8], [sflag:$0x2] =	stream.indirect_vreg.gather [hbm4b:s1+s3], $0x80, v4, vm0, $0xb8;
	[tilespmem:$0x18400] =	vst v63  }
0x116: {  	s18 =	simm.s32 $0xCC00;
	v3 =	vadd.s32 v1, v3  }
0x117: {  	[tilespmem:s18], [sflag:$0x2] =	stream.indirect_vreg.gather [hbm4b:s5+s3], $0x80, v4, vm0, $0xb8;
	[tilespmem:$0x18400] =	vst v63  }
0x118: {  	s18 =	simm.s32 $0xD400  }
0x119: {  	[tilespmem:s18], [sflag:$0x2] =	stream.indirect_vreg.gather [hbm4b:s6+s3], $0x80, v4, vm0, $0xb8;
	[tilespmem:$0x18400] =	vst v63  }
0x11a: {  	s18 =	simm.s32 $0xDC00  }
0x11b: {  	[tilespmem:s18], [sflag:$0x2] =	stream.indirect_vreg.gather [hbm4b:s1+s3], $0x80, v3, vm0, $0xb8;
	[tilespmem:$0x18400] =	vst v63  }
0x11c: {  	s18 =	simm.s32 $0xE400  }
0x11d: {  	[tilespmem:s18], [sflag:$0x2] =	stream.indirect_vreg.gather [hbm4b:s5+s3], $0x80, v3, vm0, $0xb8;
	[tilespmem:$0x18400] =	vst v63  }
0x11e: {  	s18 =	simm.s32 $0xEC00  }
0x11f: {  	[tilespmem:s18], [sflag:$0x2] =	stream.indirect_vreg.gather [hbm4b:s6+s3], $0x80, v3, vm0, $0xb8;
	[tilespmem:$0x18400] =	vst v63  }
0x120: {  	v3 =	vld [tilespmem:$0x190];
	_ =	sdelay $0x4  }
0x121: {  	v45 =	vshrl.u32 v3, $0x3  }
0x122: {  	v4 =	vmul.u32 $0x30, v45  }
0x123: {  	v3 =	vand.u32 $0x7, v3  }
0x124: {  	v3 =	vor.u32 v3, v4  }
0x125: {  	v4 =	vperm.xlane v3, v0;
	_ =	sdelay $0x1  }
0x126: {  	v4 =	vadd.s32 v1, v4;
	_ =	sdelay $0x3  }
0x127: {  	s20 =	simm.s32 $0xF400;
	v3 =	vperm.xlane v3, v2  }
0x128: {  	[tilespmem:s20], [sflag:$0x2] =	stream.indirect_vreg.gather [hbm4b:s1+s3], $0x80, v4, vm0, $0xb8;
	[tilespmem:$0x18400] =	vst v63  }
0x129: {  	v3 =	vadd.s32 v1, v3;
	s20 =	simm.s32 $0xFC00  }
0x12a: {  	[tilespmem:s20], [sflag:$0x2] =	stream.indirect_vreg.gather [hbm4b:s5+s3], $0x80, v4, vm0, $0xb8;
	[tilespmem:$0x18400] =	vst v63  }
0x12b: {  	s18 =	simm.s32 $0x10400  }
0x12c: {  	[tilespmem:s18], [sflag:$0x2] =	stream.indirect_vreg.gather [hbm4b:s6+s3], $0x80, v4, vm0, $0xb8;
	[tilespmem:$0x18400] =	vst v63  }
0x12d: {  	s20 =	simm.s32 $0x10C00  }
0x12e: {  	[tilespmem:s20], [sflag:$0x2] =	stream.indirect_vreg.gather [hbm4b:s1+s3], $0x80, v3, vm0, $0xb8;
	[tilespmem:$0x18400] =	vst v63  }
0x12f: {  	s18 =	simm.s32 $0x11400  }
0x130: {  	[tilespmem:s18], [sflag:$0x2] =	stream.indirect_vreg.gather [hbm4b:s5+s3], $0x80, v3, vm0, $0xb8;
	[tilespmem:$0x18400] =	vst v63  }
0x131: {  	s20 =	simm.s32 $0x11C00  }
0x132: {  	[tilespmem:s20], [sflag:$0x2] =	stream.indirect_vreg.gather [hbm4b:s6+s3], $0x80, v3, vm0, $0xb8;
	[tilespmem:$0x18400] =	vst v63  }
0x133: {  	v3 =	vld [tilespmem:$0x1A0];
	_ =	sdelay $0x4  }
0x134: {  	v46 =	vshrl.u32 v3, $0x3  }
0x135: {  	v4 =	vmul.u32 $0x30, v46  }
0x136: {  	v3 =	vand.u32 $0x7, v3  }
0x137: {  	v3 =	vor.u32 v3, v4  }
0x138: {  	v4 =	vperm.xlane v3, v0;
	_ =	sdelay $0x1  }
0x139: {  	v4 =	vadd.s32 v1, v4;
	_ =	sdelay $0x3  }
0x13a: {  	s18 =	simm.s32 $0x12400;
	v3 =	vperm.xlane v3, v2  }
0x13b: {  	[tilespmem:s18], [sflag:$0x2] =	stream.indirect_vreg.gather [hbm4b:s1+s3], $0x80, v4, vm0, $0xb8;
	[tilespmem:$0x18400] =	vst v63  }
0x13c: {  	s20 =	simm.s32 $0x12C00;
	v3 =	vadd.s32 v1, v3  }
0x13d: {  	[tilespmem:s20], [sflag:$0x2] =	stream.indirect_vreg.gather [hbm4b:s5+s3], $0x80, v4, vm0, $0xb8;
	[tilespmem:$0x18400] =	vst v63  }
0x13e: {  	s18 =	simm.s32 $0x13400  }
0x13f: {  	[tilespmem:s18], [sflag:$0x2] =	stream.indirect_vreg.gather [hbm4b:s6+s3], $0x80, v4, vm0, $0xb8;
	[tilespmem:$0x18400] =	vst v63  }
0x140: {  	s20 =	simm.s32 $0x13C00  }
0x141: {  	[tilespmem:s20], [sflag:$0x2] =	stream.indirect_vreg.gather [hbm4b:s1+s3], $0x80, v3, vm0, $0xb8;
	[tilespmem:$0x18400] =	vst v63  }
0x142: {  	s18 =	simm.s32 $0x14400  }
0x143: {  	[tilespmem:s18], [sflag:$0x2] =	stream.indirect_vreg.gather [hbm4b:s5+s3], $0x80, v3, vm0, $0xb8;
	[tilespmem:$0x18400] =	vst v63  }
0x144: {  	s20 =	simm.s32 $0x14C00  }
0x145: {  	[tilespmem:s20], [sflag:$0x2] =	stream.indirect_vreg.gather [hbm4b:s6+s3], $0x80, v3, vm0, $0xb8;
	[tilespmem:$0x18400] =	vst v63  }
0x146: {  	v3 =	vld [tilespmem:$0x1B0];
	_ =	sdelay $0x4  }
0x147: {  	v47 =	vshrl.u32 v3, $0x3  }
0x148: {  	v4 =	vmul.u32 $0x30, v47  }
0x149: {  	v3 =	vand.u32 $0x7, v3  }
0x14a: {  	v3 =	vor.u32 v3, v4  }
0x14b: {  	v4 =	vperm.xlane v3, v0;
	_ =	sdelay $0x1  }
0x14c: {  	v4 =	vadd.s32 v1, v4;
	_ =	sdelay $0x3  }
0x14d: {  	s18 =	simm.s32 $0x15400;
	v3 =	vperm.xlane v3, v2  }
0x14e: {  	[tilespmem:s18], [sflag:$0x2] =	stream.indirect_vreg.gather [hbm4b:s1+s3], $0x80, v4, vm0, $0xb8;
	[tilespmem:$0x18400] =	vst v63  }
0x14f: {  	s20 =	simm.s32 $0x15C00;
	v3 =	vadd.s32 v1, v3  }
0x150: {  	[tilespmem:s20], [sflag:$0x2] =	stream.indirect_vreg.gather [hbm4b:s5+s3], $0x80, v4, vm0, $0xb8;
	[tilespmem:$0x18400] =	vst v63  }
0x151: {  	s18 =	simm.s32 $0x16400  }
0x152: {  	[tilespmem:s18], [sflag:$0x2] =	stream.indirect_vreg.gather [hbm4b:s6+s3], $0x80, v4, vm0, $0xb8;
	[tilespmem:$0x18400] =	vst v63  }
0x153: {  	s20 =	simm.s32 $0x16C00  }
0x154: {  	[tilespmem:s20], [sflag:$0x2] =	stream.indirect_vreg.gather [hbm4b:s1+s3], $0x80, v3, vm0, $0xb8;
	[tilespmem:$0x18400] =	vst v63  }
0x155: {  	s18 =	simm.s32 $0x17400  }
0x156: {  	[tilespmem:s18], [sflag:$0x2] =	stream.indirect_vreg.gather [hbm4b:s5+s3], $0x80, v3, vm0, $0xb8;
	[tilespmem:$0x18400] =	vst v63  }
0x157: {  	s20 =	simm.s32 $0x17C00  }
0x158: {  	[tilespmem:s20], [sflag:$0x2] =	stream.indirect_vreg.gather [hbm4b:s6+s3], $0x80, v3, vm0, $0xb8;
	[tilespmem:$0x18400] =	vst v63  }
0x159: {  	_ =	swait.ge [sflag:s10], $0xC000  }
0x15a: {  	[sflag:s10] =	ssyncset.done $0x0  }
0x15b: {  	s18 =	rddreg [dreg:$0x7];
	[sflag:s10] =	ssyncadd.s32 $0xFFFF4000  }
0x15c: {  	[hbm4b:s18+s3] =	stream.linear.scatter [tilespmem:s8], [sflag:$0x4], $0xC000, $0x38;
	[tilespmem:$0x18400] =	vst v63  }
0x15d: {  	_ =	swait.ge [sflag:s11], $0xC000  }
0x15e: {  	[sflag:s11] =	ssyncset.done $0x0  }
0x15f: {  	[sflag:s11] =	ssyncadd.s32 $0xFFFF4000  }
0x160: {  	v3 =	vld [tilespmem:$0x200];
	_ =	sdelay $0x4  }
0x161: {  	v48 =	vshrl.u32 v3, $0x3  }
0x162: {  	v4 =	vmul.u32 $0x30, v48  }
0x163: {  	v3 =	vand.u32 $0x7, v3  }
0x164: {  	v3 =	vor.u32 v3, v4  }
0x165: {  	v4 =	vperm.xlane v3, v0;
	_ =	sdelay $0x1  }
0x166: {  	v4 =	vadd.s32 v1, v4;
	_ =	sdelay $0x3  }
0x167: {  	v3 =	vperm.xlane v3, v2  }
0x168: {  	[tilespmem:s19], [sflag:$0x1] =	stream.indirect_vreg.gather [hbm4b:s1+s3], $0x80, v4, vm0, $0xb8;
	[tilespmem:$0x18400] =	vst v63  }
0x169: {  	v3 =	vadd.s32 v1, v3  }
0x16a: {  	[tilespmem:s0], [sflag:$0x1] =	stream.indirect_vreg.gather [hbm4b:s5+s3], $0x80, v4, vm0, $0xb8;
	[tilespmem:$0x18400] =	vst v63  }
0x16b: {  	_ = 	snop  }
0x16c: {  	[tilespmem:s2], [sflag:$0x1] =	stream.indirect_vreg.gather [hbm4b:s6+s3], $0x80, v4, vm0, $0xb8;
	[tilespmem:$0x18400] =	vst v63  }
0x16d: {  	_ = 	snop  }
0x16e: {  	[tilespmem:s9], [sflag:$0x1] =	stream.indirect_vreg.gather [hbm4b:s1+s3], $0x80, v3, vm0, $0xb8;
	[tilespmem:$0x18400] =	vst v63  }
0x16f: {  	_ = 	snop  }
0x170: {  	[tilespmem:s21], [sflag:$0x1] =	stream.indirect_vreg.gather [hbm4b:s5+s3], $0x80, v3, vm0, $0xb8;
	[tilespmem:$0x18400] =	vst v63  }
0x171: {  	s20 =	simm.s32 $0x2C00  }
0x172: {  	[tilespmem:s20], [sflag:$0x1] =	stream.indirect_vreg.gather [hbm4b:s6+s3], $0x80, v3, vm0, $0xb8;
	[tilespmem:$0x18400] =	vst v63  }
0x173: {  	v3 =	vld [tilespmem:$0x210];
	_ =	sdelay $0x4  }
0x174: {  	v49 =	vshrl.u32 v3, $0x3  }
0x175: {  	v4 =	vmul.u32 $0x30, v49  }
0x176: {  	v3 =	vand.u32 $0x7, v3  }
0x177: {  	v3 =	vor.u32 v3, v4  }
0x178: {  	v4 =	vperm.xlane v3, v0;
	_ =	sdelay $0x1  }
0x179: {  	v4 =	vadd.s32 v1, v4;
	_ =	sdelay $0x3  }
0x17a: {  	s21 =	simm.s32 $0x3400;
	v3 =	vperm.xlane v3, v2  }
0x17b: {  	[tilespmem:s21], [sflag:$0x1] =	stream.indirect_vreg.gather [hbm4b:s1+s3], $0x80, v4, vm0, $0xb8;
	[tilespmem:$0x18400] =	vst v63  }
0x17c: {  	v3 =	vadd.s32 v1, v3  }
0x17d: {  	[tilespmem:s22], [sflag:$0x1] =	stream.indirect_vreg.gather [hbm4b:s5+s3], $0x80, v4, vm0, $0xb8;
	[tilespmem:$0x18400] =	vst v63  }
0x17e: {  	_ = 	snop  }
0x17f: {  	[tilespmem:s23], [sflag:$0x1] =	stream.indirect_vreg.gather [hbm4b:s6+s3], $0x80, v4, vm0, $0xb8;
	[tilespmem:$0x18400] =	vst v63  }
0x180: {  	_ = 	snop  }
0x181: {  	[tilespmem:s24], [sflag:$0x1] =	stream.indirect_vreg.gather [hbm4b:s1+s3], $0x80, v3, vm0, $0xb8;
	[tilespmem:$0x18400] =	vst v63  }
0x182: {  	_ = 	snop  }
0x183: {  	[tilespmem:s25], [sflag:$0x1] =	stream.indirect_vreg.gather [hbm4b:s5+s3], $0x80, v3, vm0, $0xb8;
	[tilespmem:$0x18400] =	vst v63  }
0x184: {  	s20 =	simm.s32 $0x5C00  }
0x185: {  	[tilespmem:s20], [sflag:$0x1] =	stream.indirect_vreg.gather [hbm4b:s6+s3], $0x80, v3, vm0, $0xb8;
	[tilespmem:$0x18400] =	vst v63  }
0x186: {  	v3 =	vld [tilespmem:$0x220];
	_ =	sdelay $0x4  }
0x187: {  	v50 =	vshrl.u32 v3, $0x3  }
0x188: {  	v4 =	vmul.u32 $0x30, v50  }
0x189: {  	v3 =	vand.u32 $0x7, v3  }
0x18a: {  	v3 =	vor.u32 v3, v4  }
0x18b: {  	v4 =	vperm.xlane v3, v0;
	_ =	sdelay $0x1  }
0x18c: {  	v4 =	vadd.s32 v1, v4;
	_ =	sdelay $0x3  }
0x18d: {  	s25 =	simm.s32 $0x6400;
	v3 =	vperm.xlane v3, v2  }
0x18e: {  	[tilespmem:s25], [sflag:$0x1] =	stream.indirect_vreg.gather [hbm4b:s1+s3], $0x80, v4, vm0, $0xb8;
	[tilespmem:$0x18400] =	vst v63  }
0x18f: {  	v3 =	vadd.s32 v1, v3  }
0x190: {  	[tilespmem:s26], [sflag:$0x1] =	stream.indirect_vreg.gather [hbm4b:s5+s3], $0x80, v4, vm0, $0xb8;
	[tilespmem:$0x18400] =	vst v63  }
0x191: {  	_ = 	snop  }
0x192: {  	[tilespmem:s28], [sflag:$0x1] =	stream.indirect_vreg.gather [hbm4b:s6+s3], $0x80, v4, vm0, $0xb8;
	[tilespmem:$0x18400] =	vst v63  }
0x193: {  	_ = 	snop  }
0x194: {  	[tilespmem:s29], [sflag:$0x1] =	stream.indirect_vreg.gather [hbm4b:s1+s3], $0x80, v3, vm0, $0xb8;
	[tilespmem:$0x18400] =	vst v63  }
0x195: {  	_ = 	snop  }
0x196: {  	[tilespmem:s30], [sflag:$0x1] =	stream.indirect_vreg.gather [hbm4b:s5+s3], $0x80, v3, vm0, $0xb8;
	[tilespmem:$0x18400] =	vst v63  }
0x197: {  	s30 =	simm.s32 $0x8C00  }
0x198: {  	[tilespmem:s30], [sflag:$0x1] =	stream.indirect_vreg.gather [hbm4b:s6+s3], $0x80, v3, vm0, $0xb8;
	[tilespmem:$0x18400] =	vst v63  }
0x199: {  	v3 =	vld [tilespmem:$0x230];
	_ =	sdelay $0x4  }
0x19a: {  	v51 =	vshrl.u32 v3, $0x3  }
0x19b: {  	v4 =	vmul.u32 $0x30, v51  }
0x19c: {  	v3 =	vand.u32 $0x7, v3  }
0x19d: {  	v3 =	vor.u32 v3, v4  }
0x19e: {  	v4 =	vperm.xlane v3, v0;
	_ =	sdelay $0x1  }
0x19f: {  	v4 =	vadd.s32 v1, v4;
	_ =	sdelay $0x3  }
0x1a0: {  	v3 =	vperm.xlane v3, v2  }
0x1a1: {  	[tilespmem:s17], [sflag:$0x1] =	stream.indirect_vreg.gather [hbm4b:s1+s3], $0x80, v4, vm0, $0xb8;
	[tilespmem:$0x18400] =	vst v63  }
0x1a2: {  	v3 =	vadd.s32 v1, v3  }
0x1a3: {  	[tilespmem:s31], [sflag:$0x1] =	stream.indirect_vreg.gather [hbm4b:s5+s3], $0x80, v4, vm0, $0xb8;
	[tilespmem:$0x18400] =	vst v63  }
0x1a4: {  	_ = 	snop  }
0x1a5: {  	[tilespmem:s14], [sflag:$0x1] =	stream.indirect_vreg.gather [hbm4b:s6+s3], $0x80, v4, vm0, $0xb8;
	[tilespmem:$0x18400] =	vst v63  }
0x1a6: {  	_ = 	snop  }
0x1a7: {  	[tilespmem:s15], [sflag:$0x1] =	stream.indirect_vreg.gather [hbm4b:s1+s3], $0x80, v3, vm0, $0xb8;
	[tilespmem:$0x18400] =	vst v63  }
0x1a8: {  	_ = 	snop  }
0x1a9: {  	[tilespmem:s16], [sflag:$0x1] =	stream.indirect_vreg.gather [hbm4b:s5+s3], $0x80, v3, vm0, $0xb8;
	[tilespmem:$0x18400] =	vst v63  }
0x1aa: {  	s31 =	simm.s32 $0xBC00  }
0x1ab: {  	[tilespmem:s31], [sflag:$0x1] =	stream.indirect_vreg.gather [hbm4b:s6+s3], $0x80, v3, vm0, $0xb8;
	[tilespmem:$0x18400] =	vst v63  }
0x1ac: {  	_ =	swait.ge [sflag:s4], $0xC000  }
0x1ad: {  	[sflag:s4] =	ssyncset.done $0x0  }
0x1ae: {  	s20 =	rddreg [dreg:$0x8];
	[sflag:s4] =	ssyncadd.s32 $0xFFFF4000  }
0x1af: {  	[hbm4b:s20+s3] =	stream.linear.scatter [tilespmem:s19], [sflag:$0x3], $0xC000, $0x38;
	[tilespmem:$0x18400] =	vst v63  }
0x1b0: {  	_ =	swait.ge [sflag:s12], $0xC000  }
0x1b1: {  	[sflag:s12] =	ssyncset.done $0x0  }
0x1b2: {  	[sflag:s12] =	ssyncadd.s32 $0xFFFF4000  }
0x1b3: {  	v3 =	vld [tilespmem:$0x280];
	_ =	sdelay $0x4  }
0x1b4: {  	v52 =	vshrl.u32 v3, $0x3  }
0x1b5: {  	v4 =	vmul.u32 $0x30, v52  }
0x1b6: {  	v3 =	vand.u32 $0x7, v3  }
0x1b7: {  	v3 =	vor.u32 v3, v4  }
0x1b8: {  	v4 =	vperm.xlane v3, v0;
	_ =	sdelay $0x1  }
0x1b9: {  	v4 =	vadd.s32 v1, v4;
	_ =	sdelay $0x3  }
0x1ba: {  	v3 =	vperm.xlane v3, v2  }
0x1bb: {  	[tilespmem:s8], [sflag:$0x2] =	stream.indirect_vreg.gather [hbm4b:s1+s3], $0x80, v4, vm0, $0xb8;
	[tilespmem:$0x18400] =	vst v63  }
0x1bc: {  	s31 =	simm.s32 $0xCC00;
	v3 =	vadd.s32 v1, v3  }
0x1bd: {  	[tilespmem:s31], [sflag:$0x2] =	stream.indirect_vreg.gather [hbm4b:s5+s3], $0x80, v4, vm0, $0xb8;
	[tilespmem:$0x18400] =	vst v63  }
0x1be: {  	s20 =	simm.s32 $0xD400  }
0x1bf: {  	[tilespmem:s20], [sflag:$0x2] =	stream.indirect_vreg.gather [hbm4b:s6+s3], $0x80, v4, vm0, $0xb8;
	[tilespmem:$0x18400] =	vst v63  }
0x1c0: {  	s13 =	simm.s32 $0xDC00  }
0x1c1: {  	[tilespmem:s13], [sflag:$0x2] =	stream.indirect_vreg.gather [hbm4b:s1+s3], $0x80, v3, vm0, $0xb8;
	[tilespmem:$0x18400] =	vst v63  }
0x1c2: {  	s13 =	simm.s32 $0xE400  }
0x1c3: {  	[tilespmem:s13], [sflag:$0x2] =	stream.indirect_vreg.gather [hbm4b:s5+s3], $0x80, v3, vm0, $0xb8;
	[tilespmem:$0x18400] =	vst v63  }
0x1c4: {  	s13 =	simm.s32 $0xEC00  }
0x1c5: {  	[tilespmem:s13], [sflag:$0x2] =	stream.indirect_vreg.gather [hbm4b:s6+s3], $0x80, v3, vm0, $0xb8;
	[tilespmem:$0x18400] =	vst v63  }
0x1c6: {  	v3 =	vld [tilespmem:$0x290];
	_ =	sdelay $0x4  }
0x1c7: {  	v53 =	vshrl.u32 v3, $0x3  }
0x1c8: {  	v4 =	vmul.u32 $0x30, v53  }
0x1c9: {  	v3 =	vand.u32 $0x7, v3  }
0x1ca: {  	v3 =	vor.u32 v3, v4  }
0x1cb: {  	v4 =	vperm.xlane v3, v0;
	_ =	sdelay $0x1  }
0x1cc: {  	v4 =	vadd.s32 v1, v4;
	_ =	sdelay $0x3  }
0x1cd: {  	s13 =	simm.s32 $0xF400;
	v3 =	vperm.xlane v3, v2  }
0x1ce: {  	[tilespmem:s13], [sflag:$0x2] =	stream.indirect_vreg.gather [hbm4b:s1+s3], $0x80, v4, vm0, $0xb8;
	[tilespmem:$0x18400] =	vst v63  }
0x1cf: {  	v3 =	vadd.s32 v1, v3;
	s13 =	simm.s32 $0xFC00  }
0x1d0: {  	[tilespmem:s13], [sflag:$0x2] =	stream.indirect_vreg.gather [hbm4b:s5+s3], $0x80, v4, vm0, $0xb8;
	[tilespmem:$0x18400] =	vst v63  }
0x1d1: {  	s13 =	simm.s32 $0x10400  }
0x1d2: {  	[tilespmem:s13], [sflag:$0x2] =	stream.indirect_vreg.gather [hbm4b:s6+s3], $0x80, v4, vm0, $0xb8;
	[tilespmem:$0x18400] =	vst v63  }
0x1d3: {  	s13 =	simm.s32 $0x10C00  }
0x1d4: {  	[tilespmem:s13], [sflag:$0x2] =	stream.indirect_vreg.gather [hbm4b:s1+s3], $0x80, v3, vm0, $0xb8;
	[tilespmem:$0x18400] =	vst v63  }
0x1d5: {  	s13 =	simm.s32 $0x11400  }
0x1d6: {  	[tilespmem:s13], [sflag:$0x2] =	stream.indirect_vreg.gather [hbm4b:s5+s3], $0x80, v3, vm0, $0xb8;
	[tilespmem:$0x18400] =	vst v63  }
0x1d7: {  	s13 =	simm.s32 $0x11C00  }
0x1d8: {  	[tilespmem:s13], [sflag:$0x2] =	stream.indirect_vreg.gather [hbm4b:s6+s3], $0x80, v3, vm0, $0xb8;
	[tilespmem:$0x18400] =	vst v63  }
0x1d9: {  	v3 =	vld [tilespmem:$0x2A0];
	_ =	sdelay $0x4  }
0x1da: {  	v54 =	vshrl.u32 v3, $0x3  }
0x1db: {  	v4 =	vmul.u32 $0x30, v54  }
0x1dc: {  	v3 =	vand.u32 $0x7, v3  }
0x1dd: {  	v3 =	vor.u32 v3, v4  }
0x1de: {  	v4 =	vperm.xlane v3, v0;
	_ =	sdelay $0x1  }
0x1df: {  	v4 =	vadd.s32 v1, v4;
	_ =	sdelay $0x3  }
0x1e0: {  	s13 =	simm.s32 $0x12400;
	v3 =	vperm.xlane v3, v2  }
0x1e1: {  	[tilespmem:s13], [sflag:$0x2] =	stream.indirect_vreg.gather [hbm4b:s1+s3], $0x80, v4, vm0, $0xb8;
	[tilespmem:$0x18400] =	vst v63  }
0x1e2: {  	v3 =	vadd.s32 v1, v3;
	s13 =	simm.s32 $0x12C00  }
0x1e3: {  	[tilespmem:s13], [sflag:$0x2] =	stream.indirect_vreg.gather [hbm4b:s5+s3], $0x80, v4, vm0, $0xb8;
	[tilespmem:$0x18400] =	vst v63  }
0x1e4: {  	s13 =	simm.s32 $0x13400  }
0x1e5: {  	[tilespmem:s13], [sflag:$0x2] =	stream.indirect_vreg.gather [hbm4b:s6+s3], $0x80, v4, vm0, $0xb8;
	[tilespmem:$0x18400] =	vst v63  }
0x1e6: {  	s13 =	simm.s32 $0x13C00  }
0x1e7: {  	[tilespmem:s13], [sflag:$0x2] =	stream.indirect_vreg.gather [hbm4b:s1+s3], $0x80, v3, vm0, $0xb8;
	[tilespmem:$0x18400] =	vst v63  }
0x1e8: {  	s13 =	simm.s32 $0x14400  }
0x1e9: {  	[tilespmem:s13], [sflag:$0x2] =	stream.indirect_vreg.gather [hbm4b:s5+s3], $0x80, v3, vm0, $0xb8;
	[tilespmem:$0x18400] =	vst v63  }
0x1ea: {  	s13 =	simm.s32 $0x14C00  }
0x1eb: {  	[tilespmem:s13], [sflag:$0x2] =	stream.indirect_vreg.gather [hbm4b:s6+s3], $0x80, v3, vm0, $0xb8;
	[tilespmem:$0x18400] =	vst v63  }
0x1ec: {  	v3 =	vld [tilespmem:$0x2B0];
	_ =	sdelay $0x4  }
0x1ed: {  	v55 =	vshrl.u32 v3, $0x3  }
0x1ee: {  	v4 =	vmul.u32 $0x30, v55  }
0x1ef: {  	v3 =	vand.u32 $0x7, v3  }
0x1f0: {  	v3 =	vor.u32 v3, v4  }
0x1f1: {  	v4 =	vperm.xlane v3, v0;
	_ =	sdelay $0x1  }
0x1f2: {  	v4 =	vadd.s32 v1, v4;
	_ =	sdelay $0x3  }
0x1f3: {  	s13 =	simm.s32 $0x15400;
	v3 =	vperm.xlane v3, v2  }
0x1f4: {  	[tilespmem:s13], [sflag:$0x2] =	stream.indirect_vreg.gather [hbm4b:s1+s3], $0x80, v4, vm0, $0xb8;
	[tilespmem:$0x18400] =	vst v63  }
0x1f5: {  	v3 =	vadd.s32 v1, v3;
	s13 =	simm.s32 $0x15C00  }
0x1f6: {  	[tilespmem:s13], [sflag:$0x2] =	stream.indirect_vreg.gather [hbm4b:s5+s3], $0x80, v4, vm0, $0xb8;
	[tilespmem:$0x18400] =	vst v63  }
0x1f7: {  	s13 =	simm.s32 $0x16400  }
0x1f8: {  	[tilespmem:s13], [sflag:$0x2] =	stream.indirect_vreg.gather [hbm4b:s6+s3], $0x80, v4, vm0, $0xb8;
	[tilespmem:$0x18400] =	vst v63  }
0x1f9: {  	s13 =	simm.s32 $0x16C00  }
0x1fa: {  	[tilespmem:s13], [sflag:$0x2] =	stream.indirect_vreg.gather [hbm4b:s1+s3], $0x80, v3, vm0, $0xb8;
	[tilespmem:$0x18400] =	vst v63  }
0x1fb: {  	s13 =	simm.s32 $0x17400  }
0x1fc: {  	[tilespmem:s13], [sflag:$0x2] =	stream.indirect_vreg.gather [hbm4b:s5+s3], $0x80, v3, vm0, $0xb8;
	[tilespmem:$0x18400] =	vst v63  }
0x1fd: {  	s13 =	simm.s32 $0x17C00  }
0x1fe: {  	[tilespmem:s13], [sflag:$0x2] =	stream.indirect_vreg.gather [hbm4b:s6+s3], $0x80, v3, vm0, $0xb8;
	[tilespmem:$0x18400] =	vst v63  }
0x1ff: {  	_ =	swait.ge [sflag:s10], $0xC000  }
0x200: {  	[sflag:s10] =	ssyncset.done $0x0  }
0x201: {  	s13 =	rddreg [dreg:$0x9];
	[sflag:s10] =	ssyncadd.s32 $0xFFFF4000  }
0x202: {  	[hbm4b:s13+s3] =	stream.linear.scatter [tilespmem:s8], [sflag:$0x4], $0xC000, $0x38;
	[tilespmem:$0x18400] =	vst v63  }
0x203: {  	_ =	swait.ge [sflag:s11], $0xC000  }
0x204: {  	[sflag:s11] =	ssyncset.done $0x0  }
0x205: {  	[sflag:s11] =	ssyncadd.s32 $0xFFFF4000  }
0x206: {  	v3 =	vld [tilespmem:$0x300];
	_ =	sdelay $0x4  }
0x207: {  	v56 =	vshrl.u32 v3, $0x3  }
0x208: {  	v4 =	vmul.u32 $0x30, v56  }
0x209: {  	v3 =	vand.u32 $0x7, v3  }
0x20a: {  	v3 =	vor.u32 v3, v4  }
0x20b: {  	v4 =	vperm.xlane v3, v0;
	_ =	sdelay $0x1  }
0x20c: {  	v4 =	vadd.s32 v1, v4;
	_ =	sdelay $0x3  }
0x20d: {  	v3 =	vperm.xlane v3, v2  }
0x20e: {  	[tilespmem:s19], [sflag:$0x1] =	stream.indirect_vreg.gather [hbm4b:s1+s3], $0x80, v4, vm0, $0xb8;
	[tilespmem:$0x18400] =	vst v63  }
0x20f: {  	s0 =	simm.s32 $0xC00;
	v3 =	vadd.s32 v1, v3  }
0x210: {  	[tilespmem:s0], [sflag:$0x1] =	stream.indirect_vreg.gather [hbm4b:s5+s3], $0x80, v4, vm0, $0xb8;
	[tilespmem:$0x18400] =	vst v63  }
0x211: {  	s2 =	simm.s32 $0x1400  }
0x212: {  	[tilespmem:s2], [sflag:$0x1] =	stream.indirect_vreg.gather [hbm4b:s6+s3], $0x80, v4, vm0, $0xb8;
	[tilespmem:$0x18400] =	vst v63  }
0x213: {  	s9 =	simm.s32 $0x1C00  }
0x214: {  	[tilespmem:s9], [sflag:$0x1] =	stream.indirect_vreg.gather [hbm4b:s1+s3], $0x80, v3, vm0, $0xb8;
	[tilespmem:$0x18400] =	vst v63  }
0x215: {  	s18 =	simm.s32 $0x2400  }
0x216: {  	[tilespmem:s18], [sflag:$0x1] =	stream.indirect_vreg.gather [hbm4b:s5+s3], $0x80, v3, vm0, $0xb8;
	[tilespmem:$0x18400] =	vst v63  }
0x217: {  	s13 =	simm.s32 $0x2C00  }
0x218: {  	[tilespmem:s13], [sflag:$0x1] =	stream.indirect_vreg.gather [hbm4b:s6+s3], $0x80, v3, vm0, $0xb8;
	[tilespmem:$0x18400] =	vst v63  }
0x219: {  	v3 =	vld [tilespmem:$0x310];
	_ =	sdelay $0x4  }
0x21a: {  	v57 =	vshrl.u32 v3, $0x3  }
0x21b: {  	v4 =	vmul.u32 $0x30, v57  }
0x21c: {  	v3 =	vand.u32 $0x7, v3  }
0x21d: {  	v3 =	vor.u32 v3, v4  }
0x21e: {  	v4 =	vperm.xlane v3, v0;
	_ =	sdelay $0x1  }
0x21f: {  	v4 =	vadd.s32 v1, v4;
	_ =	sdelay $0x3  }
0x220: {  	s18 =	simm.s32 $0x3400;
	v3 =	vperm.xlane v3, v2  }
0x221: {  	[tilespmem:s18], [sflag:$0x1] =	stream.indirect_vreg.gather [hbm4b:s1+s3], $0x80, v4, vm0, $0xb8;
	[tilespmem:$0x18400] =	vst v63  }
0x222: {  	s21 =	simm.s32 $0x3C00;
	v3 =	vadd.s32 v1, v3  }
0x223: {  	[tilespmem:s21], [sflag:$0x1] =	stream.indirect_vreg.gather [hbm4b:s5+s3], $0x80, v4, vm0, $0xb8;
	[tilespmem:$0x18400] =	vst v63  }
0x224: {  	s22 =	simm.s32 $0x4400  }
0x225: {  	[tilespmem:s22], [sflag:$0x1] =	stream.indirect_vreg.gather [hbm4b:s6+s3], $0x80, v4, vm0, $0xb8;
	[tilespmem:$0x18400] =	vst v63  }
0x226: {  	s23 =	simm.s32 $0x4C00  }
0x227: {  	[tilespmem:s23], [sflag:$0x1] =	stream.indirect_vreg.gather [hbm4b:s1+s3], $0x80, v3, vm0, $0xb8;
	[tilespmem:$0x18400] =	vst v63  }
0x228: {  	s24 =	simm.s32 $0x5400  }
0x229: {  	[tilespmem:s24], [sflag:$0x1] =	stream.indirect_vreg.gather [hbm4b:s5+s3], $0x80, v3, vm0, $0xb8;
	[tilespmem:$0x18400] =	vst v63  }
0x22a: {  	s23 =	simm.s32 $0x5C00  }
0x22b: {  	[tilespmem:s23], [sflag:$0x1] =	stream.indirect_vreg.gather [hbm4b:s6+s3], $0x80, v3, vm0, $0xb8;
	[tilespmem:$0x18400] =	vst v63  }
0x22c: {  	v3 =	vld [tilespmem:$0x320];
	_ =	sdelay $0x4  }
0x22d: {  	v58 =	vshrl.u32 v3, $0x3  }
0x22e: {  	v4 =	vmul.u32 $0x30, v58  }
0x22f: {  	v3 =	vand.u32 $0x7, v3  }
0x230: {  	v3 =	vor.u32 v3, v4  }
0x231: {  	v4 =	vperm.xlane v3, v0;
	_ =	sdelay $0x1  }
0x232: {  	v4 =	vadd.s32 v1, v4;
	_ =	sdelay $0x3  }
0x233: {  	s24 =	simm.s32 $0x6400;
	v3 =	vperm.xlane v3, v2  }
0x234: {  	[tilespmem:s24], [sflag:$0x1] =	stream.indirect_vreg.gather [hbm4b:s1+s3], $0x80, v4, vm0, $0xb8;
	[tilespmem:$0x18400] =	vst v63  }
0x235: {  	s25 =	simm.s32 $0x6C00;
	v3 =	vadd.s32 v1, v3  }
0x236: {  	[tilespmem:s25], [sflag:$0x1] =	stream.indirect_vreg.gather [hbm4b:s5+s3], $0x80, v4, vm0, $0xb8;
	[tilespmem:$0x18400] =	vst v63  }
0x237: {  	s26 =	simm.s32 $0x7400  }
0x238: {  	[tilespmem:s26], [sflag:$0x1] =	stream.indirect_vreg.gather [hbm4b:s6+s3], $0x80, v4, vm0, $0xb8;
	[tilespmem:$0x18400] =	vst v63  }
0x239: {  	s28 =	simm.s32 $0x7C00  }
0x23a: {  	[tilespmem:s28], [sflag:$0x1] =	stream.indirect_vreg.gather [hbm4b:s1+s3], $0x80, v3, vm0, $0xb8;
	[tilespmem:$0x18400] =	vst v63  }
0x23b: {  	s29 =	simm.s32 $0x8400  }
0x23c: {  	[tilespmem:s29], [sflag:$0x1] =	stream.indirect_vreg.gather [hbm4b:s5+s3], $0x80, v3, vm0, $0xb8;
	[tilespmem:$0x18400] =	vst v63  }
0x23d: {  	s25 =	simm.s32 $0x8C00  }
0x23e: {  	[tilespmem:s25], [sflag:$0x1] =	stream.indirect_vreg.gather [hbm4b:s6+s3], $0x80, v3, vm0, $0xb8;
	[tilespmem:$0x18400] =	vst v63  }
0x23f: {  	v3 =	vld [tilespmem:$0x330];
	_ =	sdelay $0x4  }
0x240: {  	v59 =	vshrl.u32 v3, $0x3  }
0x241: {  	v4 =	vmul.u32 $0x30, v59  }
0x242: {  	v3 =	vand.u32 $0x7, v3  }
0x243: {  	v3 =	vor.u32 v3, v4  }
0x244: {  	v4 =	vperm.xlane v3, v0;
	_ =	sdelay $0x1  }
0x245: {  	v4 =	vadd.s32 v1, v4;
	_ =	sdelay $0x3  }
0x246: {  	s17 =	simm.s32 $0x9400;
	v3 =	vperm.xlane v3, v2  }
0x247: {  	[tilespmem:s17], [sflag:$0x1] =	stream.indirect_vreg.gather [hbm4b:s1+s3], $0x80, v4, vm0, $0xb8;
	[tilespmem:$0x18400] =	vst v63  }
0x248: {  	s30 =	simm.s32 $0x9C00;
	v3 =	vadd.s32 v1, v3  }
0x249: {  	[tilespmem:s30], [sflag:$0x1] =	stream.indirect_vreg.gather [hbm4b:s5+s3], $0x80, v4, vm0, $0xb8;
	[tilespmem:$0x18400] =	vst v63  }
0x24a: {  	s14 =	simm.s32 $0xA400  }
0x24b: {  	[tilespmem:s14], [sflag:$0x1] =	stream.indirect_vreg.gather [hbm4b:s6+s3], $0x80, v4, vm0, $0xb8;
	[tilespmem:$0x18400] =	vst v63  }
0x24c: {  	s15 =	simm.s32 $0xAC00  }
0x24d: {  	[tilespmem:s15], [sflag:$0x1] =	stream.indirect_vreg.gather [hbm4b:s1+s3], $0x80, v3, vm0, $0xb8;
	[tilespmem:$0x18400] =	vst v63  }
0x24e: {  	s16 =	simm.s32 $0xB400  }
0x24f: {  	[tilespmem:s16], [sflag:$0x1] =	stream.indirect_vreg.gather [hbm4b:s5+s3], $0x80, v3, vm0, $0xb8;
	[tilespmem:$0x18400] =	vst v63  }
0x250: {  	s26 =	simm.s32 $0xBC00  }
0x251: {  	[tilespmem:s26], [sflag:$0x1] =	stream.indirect_vreg.gather [hbm4b:s6+s3], $0x80, v3, vm0, $0xb8;
	[tilespmem:$0x18400] =	vst v63  }
0x252: {  	_ =	swait.ge [sflag:s4], $0xC000  }
0x253: {  	[sflag:s4] =	ssyncset.done $0x0  }
0x254: {  	s28 =	rddreg [dreg:$0xa];
	[sflag:s4] =	ssyncadd.s32 $0xFFFF4000  }
0x255: {  	[hbm4b:s28+s3] =	stream.linear.scatter [tilespmem:s19], [sflag:$0x3], $0xC000, $0x38;
	[tilespmem:$0x18400] =	vst v63  }
0x256: {  	_ =	swait.ge [sflag:s12], $0xC000  }
0x257: {  	[sflag:s12] =	ssyncset.done $0x0  }
0x258: {  	[sflag:s12] =	ssyncadd.s32 $0xFFFF4000  }
0x259: {  	v3 =	vld [tilespmem:$0x380];
	_ =	sdelay $0x4  }
0x25a: {  	v60 =	vshrl.u32 v3, $0x3  }
0x25b: {  	v4 =	vmul.u32 $0x30, v60  }
0x25c: {  	v3 =	vand.u32 $0x7, v3  }
0x25d: {  	v3 =	vor.u32 v3, v4  }
0x25e: {  	v4 =	vperm.xlane v3, v0;
	_ =	sdelay $0x1  }
0x25f: {  	v4 =	vadd.s32 v1, v4;
	_ =	sdelay $0x3  }
0x260: {  	v3 =	vperm.xlane v3, v2  }
0x261: {  	[tilespmem:s8], [sflag:$0x2] =	stream.indirect_vreg.gather [hbm4b:s1+s3], $0x80, v4, vm0, $0xb8;
	[tilespmem:$0x18400] =	vst v63  }
0x262: {  	s31 =	simm.s32 $0xCC00;
	v3 =	vadd.s32 v1, v3  }
0x263: {  	[tilespmem:s31], [sflag:$0x2] =	stream.indirect_vreg.gather [hbm4b:s5+s3], $0x80, v4, vm0, $0xb8;
	[tilespmem:$0x18400] =	vst v63  }
0x264: {  	s20 =	simm.s32 $0xD400  }
0x265: {  	[tilespmem:s20], [sflag:$0x2] =	stream.indirect_vreg.gather [hbm4b:s6+s3], $0x80, v4, vm0, $0xb8;
	[tilespmem:$0x18400] =	vst v63  }
0x266: {  	s29 =	simm.s32 $0xDC00  }
0x267: {  	[tilespmem:s29], [sflag:$0x2] =	stream.indirect_vreg.gather [hbm4b:s1+s3], $0x80, v3, vm0, $0xb8;
	[tilespmem:$0x18400] =	vst v63  }
0x268: {  	s30 =	simm.s32 $0xE400  }
0x269: {  	[tilespmem:s30], [sflag:$0x2] =	stream.indirect_vreg.gather [hbm4b:s5+s3], $0x80, v3, vm0, $0xb8;
	[tilespmem:$0x18400] =	vst v63  }
0x26a: {  	s31 =	simm.s32 $0xEC00  }
0x26b: {  	[tilespmem:s31], [sflag:$0x2] =	stream.indirect_vreg.gather [hbm4b:s6+s3], $0x80, v3, vm0, $0xb8;
	[tilespmem:$0x18400] =	vst v63  }
0x26c: {  	v3 =	vld [tilespmem:$0x390];
	_ =	sdelay $0x4  }
0x26d: {  	v61 =	vshrl.u32 v3, $0x3  }
0x26e: {  	v4 =	vmul.u32 $0x30, v61  }
0x26f: {  	v3 =	vand.u32 $0x7, v3  }
0x270: {  	v3 =	vor.u32 v3, v4  }
0x271: {  	v4 =	vperm.xlane v3, v0;
	_ =	sdelay $0x1  }
0x272: {  	v4 =	vadd.s32 v1, v4;
	_ =	sdelay $0x3  }
0x273: {  	s2 =	simm.s32 $0xF400;
	v3 =	vperm.xlane v3, v2  }
0x274: {  	[tilespmem:s2], [sflag:$0x2] =	stream.indirect_vreg.gather [hbm4b:s1+s3], $0x80, v4, vm0, $0xb8;
	[tilespmem:$0x18400] =	vst v63  }
0x275: {  	s9 =	simm.s32 $0xFC00;
	v3 =	vadd.s32 v1, v3  }
0x276: {  	[tilespmem:s9], [sflag:$0x2] =	stream.indirect_vreg.gather [hbm4b:s5+s3], $0x80, v4, vm0, $0xb8;
	[tilespmem:$0x18400] =	vst v63  }
0x277: {  	s13 =	simm.s32 $0x10400  }
0x278: {  	[tilespmem:s13], [sflag:$0x2] =	stream.indirect_vreg.gather [hbm4b:s6+s3], $0x80, v4, vm0, $0xb8;
	[tilespmem:$0x18400] =	vst v63  }
0x279: {  	s14 =	simm.s32 $0x10C00  }
0x27a: {  	[tilespmem:s14], [sflag:$0x2] =	stream.indirect_vreg.gather [hbm4b:s1+s3], $0x80, v3, vm0, $0xb8;
	[tilespmem:$0x18400] =	vst v63  }
0x27b: {  	s15 =	simm.s32 $0x11400  }
0x27c: {  	[tilespmem:s15], [sflag:$0x2] =	stream.indirect_vreg.gather [hbm4b:s5+s3], $0x80, v3, vm0, $0xb8;
	[tilespmem:$0x18400] =	vst v63  }
0x27d: {  	s16 =	simm.s32 $0x11C00  }
0x27e: {  	[tilespmem:s16], [sflag:$0x2] =	stream.indirect_vreg.gather [hbm4b:s6+s3], $0x80, v3, vm0, $0xb8;
	[tilespmem:$0x18400] =	vst v63  }
0x27f: {  	v3 =	vld [tilespmem:$0x3A0];
	_ =	sdelay $0x4  }
0x280: {  	v62 =	vshrl.u32 v3, $0x3  }
0x281: {  	v4 =	vmul.u32 $0x30, v62  }
0x282: {  	v3 =	vand.u32 $0x7, v3  }
0x283: {  	v3 =	vor.u32 v3, v4  }
0x284: {  	v4 =	vperm.xlane v3, v0;
	_ =	sdelay $0x1  }
0x285: {  	v4 =	vadd.s32 v1, v4;
	_ =	sdelay $0x3  }
0x286: {  	s17 =	simm.s32 $0x12400;
	v3 =	vperm.xlane v3, v2  }
0x287: {  	[tilespmem:s17], [sflag:$0x2] =	stream.indirect_vreg.gather [hbm4b:s1+s3], $0x80, v4, vm0, $0xb8;
	[tilespmem:$0x18400] =	vst v63  }
0x288: {  	s18 =	simm.s32 $0x12C00;
	v3 =	vadd.s32 v1, v3  }
0x289: {  	[tilespmem:s18], [sflag:$0x2] =	stream.indirect_vreg.gather [hbm4b:s5+s3], $0x80, v4, vm0, $0xb8;
	[tilespmem:$0x18400] =	vst v63  }
0x28a: {  	s20 =	simm.s32 $0x13400  }
0x28b: {  	[tilespmem:s20], [sflag:$0x2] =	stream.indirect_vreg.gather [hbm4b:s6+s3], $0x80, v4, vm0, $0xb8;
	[tilespmem:$0x18400] =	vst v63  }
0x28c: {  	s21 =	simm.s32 $0x13C00  }
0x28d: {  	[tilespmem:s21], [sflag:$0x2] =	stream.indirect_vreg.gather [hbm4b:s1+s3], $0x80, v3, vm0, $0xb8;
	[tilespmem:$0x18400] =	vst v63  }
0x28e: {  	s22 =	simm.s32 $0x14400  }
0x28f: {  	[tilespmem:s22], [sflag:$0x2] =	stream.indirect_vreg.gather [hbm4b:s5+s3], $0x80, v3, vm0, $0xb8;
	[tilespmem:$0x18400] =	vst v63  }
0x290: {  	s23 =	simm.s32 $0x14C00  }
0x291: {  	[tilespmem:s23], [sflag:$0x2] =	stream.indirect_vreg.gather [hbm4b:s6+s3], $0x80, v3, vm0, $0xb8;
	[tilespmem:$0x18400] =	vst v63  }
0x292: {  	v3 =	vld [tilespmem:$0x3B0];
	_ =	sdelay $0x4  }
0x293: {  	v63 =	vshrl.u32 v3, $0x3  }
0x294: {  	v4 =	vmul.u32 $0x30, v63  }
0x295: {  	v3 =	vand.u32 $0x7, v3  }
0x296: {  	v3 =	vor.u32 v3, v4  }
0x297: {  	v4 =	vperm.xlane v3, v0;
	_ =	sdelay $0x1  }
0x298: {  	v4 =	vadd.s32 v1, v4;
	_ =	sdelay $0x3  }
0x299: {  	s24 =	simm.s32 $0x15400;
	v3 =	vperm.xlane v3, v2  }
0x29a: {  	[tilespmem:s24], [sflag:$0x2] =	stream.indirect_vreg.gather [hbm4b:s1+s3], $0x80, v4, vm0, $0xb8;
	[tilespmem:$0x18400] =	vst v63  }
0x29b: {  	s25 =	simm.s32 $0x15C00;
	v3 =	vadd.s32 v1, v3  }
0x29c: {  	[tilespmem:s25], [sflag:$0x2] =	stream.indirect_vreg.gather [hbm4b:s5+s3], $0x80, v4, vm0, $0xb8;
	[tilespmem:$0x18400] =	vst v63  }
0x29d: {  	s26 =	simm.s32 $0x16400  }
0x29e: {  	[tilespmem:s26], [sflag:$0x2] =	stream.indirect_vreg.gather [hbm4b:s6+s3], $0x80, v4, vm0, $0xb8;
	[tilespmem:$0x18400] =	vst v63  }
0x29f: {  	s28 =	simm.s32 $0x16C00  }
0x2a0: {  	[tilespmem:s28], [sflag:$0x2] =	stream.indirect_vreg.gather [hbm4b:s1+s3], $0x80, v3, vm0, $0xb8;
	[tilespmem:$0x18400] =	vst v63  }
0x2a1: {  	s29 =	simm.s32 $0x17400  }
0x2a2: {  	[tilespmem:s29], [sflag:$0x2] =	stream.indirect_vreg.gather [hbm4b:s5+s3], $0x80, v3, vm0, $0xb8;
	[tilespmem:$0x18400] =	vst v63  }
0x2a3: {  	s30 =	simm.s32 $0x17C00  }
0x2a4: {  	[tilespmem:s30], [sflag:$0x2] =	stream.indirect_vreg.gather [hbm4b:s6+s3], $0x80, v3, vm0, $0xb8;
	[tilespmem:$0x18400] =	vst v63  }
0x2a5: {  	_ =	swait.ge [sflag:s10], $0xC000  }
0x2a6: {  	[sflag:s10] =	ssyncset.done $0x0  }
0x2a7: {  	s31 =	rddreg [dreg:$0xb];
	[sflag:s10] =	ssyncadd.s32 $0xFFFF4000  }
0x2a8: {  	[hbm4b:s31+s3] =	stream.linear.scatter [tilespmem:s8], [sflag:$0x4], $0xC000, $0x38;
	[tilespmem:$0x18400] =	vst v63  }
0x2a9: {  	p0 =	sne.s32 s7, $0x1;
	_ =	swait.ge [sflag:s11], $0xC000  }
.Ltmp0:
0x2aa: {  	[sflag:s11] =	ssyncset.done $0x0;
	(pc) =	sbr.rel @p0 .LBB2_1-.Ltmp0, $4  }
0x2ab: {  	[sflag:s11] =	ssyncadd.s32 $0xFFFF4000  }
0x2ac: {  	_ =	swait.ge [sflag:s12], $0xC000  }
0x2ad: {  	[sflag:s12] =	ssyncset.done $0x0  }
0x2ae: {  	s7 =	sadd.s32 $0xFFFFFFFF, s7;
	[sflag:s12] =	ssyncadd.s32 $0xFFFF4000  }
0x2af: {  	_ =	sfence.sel $0x180000  }
0x2b0: {  	[bflag:$0x0] =	sbarrier.arrive $0xFFFF  }
0x2b1: {  	_ =	strace $0x90000047  }
0x2b2: {  	s0 =	stileid.u32;
	[bflag:$0x2] =	sbarrier.arrive $0xFFFF  }
0x2b3: {  	p0 =	sne.s32 s0, $0x0;
	s0 =	rddreg [dreg:$0x3]  }
0x2b4: {  	s0 =	sadd.s32 @!p0 $0x100000, s0  }
0x2b5: {  	[sflag:s0] =	ssyncadd.tile.s32 @!p0 $0x1;
	_ =	shalt  }
.Lfunc_end2:
_tile_overlayer_lowered:
.L_overlay_start_2:
0x2b6: {  	(tag) =	ssettag $0x2  }
0x2b7: {  	s0 =	rddreg [dreg:$0x0];
	s2 =	stileid.u32  }
0x2b8: {  	s1 =	rddreg [dreg:$0x1];
	p0 =	sne.s32 s2, $0x0  }
0x2b9: {  	s3 =	rddreg [dreg:$0x2];
	[bflag:$0x3] =	sbarrier.arrive $0xFFFF;
	s2 =	simm.s32 @!p0 $0x1C05  }
0x2ba: {  	[timem:s3], [sflag:s2] =	dma.local @!p0 [hbm:s0], s1  }
0x2bb: {  	s0 =	simm.s32 @!p0 $0x5  }
0x2bc: {  	_ =	swait.ge @!p0 [sflag:s0], s1  }
0x2bd: {  	s1 =	ssub.s32 @!p0 $0x0, s1;
	[sflag:s0] =	ssyncset.done @!p0 $0x0  }
0x2be: {  	[sflag:s0] =	ssyncadd.s32 @!p0 s1  }
0x2bf: {  	[bflag:$0x3] =	sbarrier.arrive $0xFFFF  }
0x2c0: {  	_ =	shalt  }

</sc_bundles>
